<compile_context>
chip_gen: v7x
topology: tpu7x:2x2x1
jax: 0.10.2.dev20260603
libtpu: 0.0.44.dev20260713+nightly
codegen_flags: <defaults>
</compile_context>

<pallas_src>
import functools

import jax
import jax.numpy as jnp
from jax import lax
from jax.experimental import pallas as pl
from jax.experimental.pallas import tpu as pltpu
from jax.experimental.pallas import tpu_sc as plsc


_BG_BLK = 2
_R = 2048


def _tc_full_body(pos_ref, k_ref, ko_ref):
    ko_ref[...] = jnp.zeros_like(ko_ref)
    t = k_ref.shape[1]
    for b in range(_BG_BLK):
        for i in range(t):
            p = pos_ref[i]
            ko_ref[b, pl.ds(p, 1), :] = k_ref[b, pl.ds(i, 1), :]


def _tc_fill_scatter(pos, kr, max_s):
    n, t, hd = kr.shape
    grid_spec = pltpu.PrefetchScalarGridSpec(
        num_scalar_prefetch=1,
        grid=(n // _BG_BLK,),
        in_specs=[pl.BlockSpec((_BG_BLK, t, hd), lambda i, pos: (i, 0, 0))],
        out_specs=[pl.BlockSpec((_BG_BLK, max_s, hd), lambda i, pos: (i, 0, 0))],
    )
    (kf,) = pl.pallas_call(
        _tc_full_body,
        grid_spec=grid_spec,
        out_shape=[jax.ShapeDtypeStruct((n, max_s, hd), kr.dtype)],
        compiler_params=pltpu.CompilerParams(
            dimension_semantics=("parallel",)),
    )(pos, kr)
    return kf


def _tc_top_body(pos_ref, vbot_ref, v_ref, vo_ref):
    del vbot_ref
    rchunk = vo_ref.shape[1]
    lo = _R + pl.program_id(1) * rchunk
    vo_ref[...] = jnp.zeros_like(vo_ref)
    t = v_ref.shape[1]
    for b in range(_BG_BLK):
        for i in range(t):
            p = pos_ref[i]

            @pl.when(jnp.logical_and(p >= lo, p < lo + rchunk))
            def _():
                vo_ref[b, pl.ds(p - lo, 1), :] = v_ref[b, pl.ds(i, 1), :]


def _tc_fill_scatter_top(pos, vbot, vr, max_s):
    n, t, hd = vr.shape
    top = max_s - _R
    rchunk = top if _R % top == 0 else 512
    grid_spec = pltpu.PrefetchScalarGridSpec(
        num_scalar_prefetch=1,
        grid=(n // _BG_BLK, top // rchunk),
        in_specs=[
            pl.BlockSpec(memory_space=pl.ANY),
            pl.BlockSpec((_BG_BLK, t, hd), lambda i, j, pos: (i, 0, 0)),
        ],
        out_specs=[
            pl.BlockSpec((_BG_BLK, rchunk, hd),
                         lambda i, j, pos: (i, _R // rchunk + j, 0)),
        ],
    )
    (vf,) = pl.pallas_call(
        _tc_top_body,
        grid_spec=grid_spec,
        out_shape=[jax.ShapeDtypeStruct((n, max_s, hd), vr.dtype)],
        input_output_aliases={1: 0},
        compiler_params=pltpu.CompilerParams(
            dimension_semantics=("parallel", "arbitrary")),
    )(pos, vbot, vr)
    return vf


def _make_sc_fill_scatter_bottom(n_groups, max_s, t, hd):
    info = plsc.get_sparse_core_info()
    nw = info.num_cores * info.num_subcores
    nc = info.num_cores
    gpw = n_groups // nw
    zr = 512
    cpg = _R // zr
    mesh = plsc.VectorSubcoreMesh(core_axis_name="c", subcore_axis_name="s")

    @functools.partial(
        pl.kernel,
        mesh=mesh,
        out_type=jax.ShapeDtypeStruct((n_groups * max_s, hd), jnp.float32),
        scratch_types=[
            pltpu.VMEM((zr, hd), jnp.float32),
            pltpu.VMEM((gpw * t, hd), jnp.float32),
            pltpu.VMEM((t,), jnp.int32),
            pltpu.VMEM((gpw * t,), jnp.int32),
            pltpu.SemaphoreType.DMA,
            pltpu.SemaphoreType.DMA,
        ],
    )
    def sck(pos_hbm, v_hbm, out_hbm, zbuf, rows, posv, idxv, fsem, ssem):
        wid = lax.axis_index("s") * nc + lax.axis_index("c")
        zero16 = jnp.zeros((16,), jnp.float32)

        def zrow(i, c):
            for j in range(hd // 16):
                zbuf[i, pl.ds(j * 16, 16)] = zero16
            return c

        lax.fori_loop(0, zr, zrow, 0, unroll=8)

        g0 = wid * gpw
        fills = [
            pltpu.async_copy(
                zbuf,
                out_hbm.at[pl.ds((g0 + j) * max_s + c * zr, zr)],
                fsem,
            )
            for j in range(gpw)
            for c in range(cpg)
        ]
        pltpu.sync_copy(pos_hbm, posv)
        pltpu.sync_copy(v_hbm.at[pl.ds(g0 * t, gpw * t)], rows)
        pv = posv[...]
        pclip = jnp.where(pv < _R, pv, _R)
        for j in range(gpw):
            idxv[pl.ds(j * t, t)] = pclip + (g0 + j) * max_s
        for f in fills:
            f.wait()
        pltpu.async_copy(rows, out_hbm.at[idxv], ssem).wait()

    return sck


def kernel(input_pos, k, v, k_cache, v_cache):
    bs, g, t, hd = k.shape
    max_s = k_cache.shape[2]
    kr = k.reshape(bs * g, t, hd)
    vr = v.reshape(bs * g, t, hd)
    vr2 = v.reshape(bs * g * t, hd)
    pos = input_pos.astype(jnp.int32)

    kf = _tc_fill_scatter(pos, kr, max_s)
    vbot = _make_sc_fill_scatter_bottom(bs * g, max_s, t, hd)(pos, vr2)
    vf = _tc_fill_scatter_top(pos, vbot.reshape(bs * g, max_s, hd), vr, max_s)
    return kf.reshape(bs, g, max_s, hd), vf.reshape(bs, g, max_s, hd)

# --- scband reference (transcript-rebuilt; emitter-appended) ---
"""Pipeline reference for scband-kvcache-81114752352508 (READ-ONLY COPY).

The authoritative reference and input builder live on the scoring server;
editing this copy changes nothing except your own understanding.
"""

import jax, jax.numpy as jnp
import numpy as np

BS, G, MAX_S, HD = 16, 8, 4096, 128
T = 16

def setup_inputs(seed: int = 0) -> dict:
    key = jax.random.key(seed)
    k1, k2 = jax.random.split(key)
    input_pos = jnp.arange(T, dtype=jnp.int64) if jax.config.jax_enable_x64 else jnp.arange(T, dtype=jnp.int32)
    k = jax.random.normal(k1, (BS, G, T, HD), dtype=jnp.float32)
    v = jax.random.normal(k2, (BS, G, T, HD), dtype=jnp.float32)
    k_cache = jnp.zeros((BS, G, MAX_S, HD), dtype=jnp.float32)
    v_cache = jnp.zeros((BS, G, MAX_S, HD), dtype=jnp.float32)
    return {"input_pos": input_pos, "k": k, "v": v, "k_cache": k_cache, "v_cache": v_cache}

def reference(input_pos, k, v, k_cache, v_cache):
    # KVCache.forward: index_copy_ new k/v into the cache along seq dim (-2)
    bs = k.shape[0]
    k_full = k_cache[:bs].at[:, :, input_pos, :].set(k)
    v_full = v_cache[:bs].at[:, :, input_pos, :].set(v)
    return (k_full, v_full)

if __name__ == "__main__":
    import jax
    _d = setup_inputs()
    print(jax.jit(kernel)(*tuple(_d.values())))

</pallas_src>

<mosaic_0001>
#map = affine_map<(d0, d1) -> (0)>
#map1 = affine_map<(d0, d1) -> (0, 0)>
module attributes {stable_mosaic.version = 14 : i64} {
  func.func @sck(%arg0: i32, %arg1: i32, %arg2: memref<16xi32, #tpu.memory_space<hbm>>, %arg3: memref<2048x128xf32, #tpu.memory_space<hbm>>, %arg4: memref<524288x128xf32, #tpu.memory_space<hbm>>, %arg5: memref<512x128xf32, #tpu.memory_space<vmem>>, %arg6: memref<64x128xf32, #tpu.memory_space<vmem>>, %arg7: memref<16xi32, #tpu.memory_space<vmem>>, %arg8: memref<64xi32, #tpu.memory_space<vmem>>, %arg9: memref<!tpu.dma_semaphore, #tpu.memory_space<semaphore_mem>>, %arg10: memref<!tpu.dma_semaphore, #tpu.memory_space<semaphore_mem>>) attributes {dimension_semantics = [#tpu.dimension_semantics<core_parallel>, #tpu.dimension_semantics<subcore_parallel>], iteration_bounds = array<i64: 2, 16>, scalar_prefetch = 0 : i64, scratch_operands = 6 : i64, tpu.core_type = #tpu.core_type<sc_vector_subcore>, window_params = [{transform_indices = #map}, {transform_indices = #map1}, {transform_indices = #map1}]} {
    %mul3A = arith.constant 2 : i32
    %mul3A_0 = arith.muli %arg1, %mul3A : i32
    %add3A = arith.addi %mul3A_0, %arg0 : i32
    %broadcast_in_dim3A = arith.constant 0.000000e+00 : f32
    %broadcast_in_dim3A_1 = vector.broadcast %broadcast_in_dim3A : f32 to vector<16xf32>
    %scan3A = arith.constant 0 : i32
    %scan3A_2 = arith.constant 0 : i32
    %scan3A_3 = arith.constant 512 : i32
    %scan3A_4 = arith.addi %scan3A_2, %scan3A_3 : i32
    %scan3A_5 = arith.constant 8 : i32
    scf.for %scan3A_283 = %scan3A_2 to %scan3A_4 step %scan3A_5  : i32 {
      %swap3A_284 = arith.index_cast %scan3A_283 : i32 to index
      %swap3A_285 = arith.constant 0 : index
      %swap3A_286 = tpu.vector_load %arg5[%swap3A_284, %swap3A_285] {strides = array<i32>} : memref<512x128xf32, #tpu.memory_space<vmem>>, vector<1x16xf32>,
      %swap3A_287 = vector.shape_cast %swap3A_286 : vector<1x16xf32> to vector<16xf32>
      %swap3A_288 = vector.shape_cast %broadcast_in_dim3A_1 : vector<16xf32> to vector<1x16xf32>
      tpu.vector_store %arg5[%swap3A_284, %swap3A_285], %swap3A_288 {strides = array<i32>} : memref<512x128xf32, #tpu.memory_space<vmem>>, vector<1x16xf32>,
      %swap3A_289 = arith.index_cast %scan3A_283 : i32 to index
      %swap3A_290 = arith.constant 16 : index
      %swap3A_291 = tpu.vector_load %arg5[%swap3A_289, %swap3A_290] {strides = array<i32>} : memref<512x128xf32, #tpu.memory_space<vmem>>, vector<1x16xf32>,
      %swap3A_292 = vector.shape_cast %swap3A_291 : vector<1x16xf32> to vector<16xf32>
      %swap3A_293 = vector.shape_cast %broadcast_in_dim3A_1 : vector<16xf32> to vector<1x16xf32>
      tpu.vector_store %arg5[%swap3A_289, %swap3A_290], %swap3A_293 {strides = array<i32>} : memref<512x128xf32, #tpu.memory_space<vmem>>, vector<1x16xf32>,
      %swap3A_294 = arith.index_cast %scan3A_283 : i32 to index
      %swap3A_295 = arith.constant 32 : index
      %swap3A_296 = tpu.vector_load %arg5[%swap3A_294, %swap3A_295] {strides = array<i32>} : memref<512x128xf32, #tpu.memory_space<vmem>>, vector<1x16xf32>,
      %swap3A_297 = vector.shape_cast %swap3A_296 : vector<1x16xf32> to vector<16xf32>
      %swap3A_298 = vector.shape_cast %broadcast_in_dim3A_1 : vector<16xf32> to vector<1x16xf32>
      tpu.vector_store %arg5[%swap3A_294, %swap3A_295], %swap3A_298 {strides = array<i32>} : memref<512x128xf32, #tpu.memory_space<vmem>>, vector<1x16xf32>,
      %swap3A_299 = arith.index_cast %scan3A_283 : i32 to index
      %swap3A_300 = arith.constant 48 : index
      %swap3A_301 = tpu.vector_load %arg5[%swap3A_299, %swap3A_300] {strides = array<i32>} : memref<512x128xf32, #tpu.memory_space<vmem>>, vector<1x16xf32>,
      %swap3A_302 = vector.shape_cast %swap3A_301 : vector<1x16xf32> to vector<16xf32>
      %swap3A_303 = vector.shape_cast %broadcast_in_dim3A_1 : vector<16xf32> to vector<1x16xf32>
      tpu.vector_store %arg5[%swap3A_299, %swap3A_300], %swap3A_303 {strides = array<i32>} : memref<512x128xf32, #tpu.memory_space<vmem>>, vector<1x16xf32>,
      %swap3A_304 = arith.index_cast %scan3A_283 : i32 to index
      %swap3A_305 = arith.constant 64 : index
      %swap3A_306 = tpu.vector_load %arg5[%swap3A_304, %swap3A_305] {strides = array<i32>} : memref<512x128xf32, #tpu.memory_space<vmem>>, vector<1x16xf32>,
      %swap3A_307 = vector.shape_cast %swap3A_306 : vector<1x16xf32> to vector<16xf32>
      %swap3A_308 = vector.shape_cast %broadcast_in_dim3A_1 : vector<16xf32> to vector<1x16xf32>
      tpu.vector_store %arg5[%swap3A_304, %swap3A_305], %swap3A_308 {strides = array<i32>} : memref<512x128xf32, #tpu.memory_space<vmem>>, vector<1x16xf32>,
      %swap3A_309 = arith.index_cast %scan3A_283 : i32 to index
      %swap3A_310 = arith.constant 80 : index
      %swap3A_311 = tpu.vector_load %arg5[%swap3A_309, %swap3A_310] {strides = array<i32>} : memref<512x128xf32, #tpu.memory_space<vmem>>, vector<1x16xf32>,
      %swap3A_312 = vector.shape_cast %swap3A_311 : vector<1x16xf32> to vector<16xf32>
      %swap3A_313 = vector.shape_cast %broadcast_in_dim3A_1 : vector<16xf32> to vector<1x16xf32>
      tpu.vector_store %arg5[%swap3A_309, %swap3A_310], %swap3A_313 {strides = array<i32>} : memref<512x128xf32, #tpu.memory_space<vmem>>, vector<1x16xf32>,
      %swap3A_314 = arith.index_cast %scan3A_283 : i32 to index
      %swap3A_315 = arith.constant 96 : index
      %swap3A_316 = tpu.vector_load %arg5[%swap3A_314, %swap3A_315] {strides = array<i32>} : memref<512x128xf32, #tpu.memory_space<vmem>>, vector<1x16xf32>,
      %swap3A_317 = vector.shape_cast %swap3A_316 : vector<1x16xf32> to vector<16xf32>
      %swap3A_318 = vector.shape_cast %broadcast_in_dim3A_1 : vector<16xf32> to vector<1x16xf32>
      tpu.vector_store %arg5[%swap3A_314, %swap3A_315], %swap3A_318 {strides = array<i32>} : memref<512x128xf32, #tpu.memory_space<vmem>>, vector<1x16xf32>,
      %swap3A_319 = arith.index_cast %scan3A_283 : i32 to index
      %swap3A_320 = arith.constant 112 : index
      %swap3A_321 = tpu.vector_load %arg5[%swap3A_319, %swap3A_320] {strides = array<i32>} : memref<512x128xf32, #tpu.memory_space<vmem>>, vector<1x16xf32>,
      %swap3A_322 = vector.shape_cast %swap3A_321 : vector<1x16xf32> to vector<16xf32>
      %swap3A_323 = vector.shape_cast %broadcast_in_dim3A_1 : vector<16xf32> to vector<1x16xf32>
      tpu.vector_store %arg5[%swap3A_319, %swap3A_320], %swap3A_323 {strides = array<i32>} : memref<512x128xf32, #tpu.memory_space<vmem>>, vector<1x16xf32>,
      %scan3A_324 = arith.constant 1 : i32
      %scan3A_325 = arith.addi %scan3A_283, %scan3A_324 : i32
      %swap3A_326 = arith.index_cast %scan3A_325 : i32 to index
      %swap3A_327 = arith.constant 0 : index
      %swap3A_328 = tpu.vector_load %arg5[%swap3A_326, %swap3A_327] {strides = array<i32>} : memref<512x128xf32, #tpu.memory_space<vmem>>, vector<1x16xf32>,
      %swap3A_329 = vector.shape_cast %swap3A_328 : vector<1x16xf32> to vector<16xf32>
      %swap3A_330 = vector.shape_cast %broadcast_in_dim3A_1 : vector<16xf32> to vector<1x16xf32>
      tpu.vector_store %arg5[%swap3A_326, %swap3A_327], %swap3A_330 {strides = array<i32>} : memref<512x128xf32, #tpu.memory_space<vmem>>, vector<1x16xf32>,
      %swap3A_331 = arith.index_cast %scan3A_325 : i32 to index
      %swap3A_332 = arith.constant 16 : index
      %swap3A_333 = tpu.vector_load %arg5[%swap3A_331, %swap3A_332] {strides = array<i32>} : memref<512x128xf32, #tpu.memory_space<vmem>>, vector<1x16xf32>,
      %swap3A_334 = vector.shape_cast %swap3A_333 : vector<1x16xf32> to vector<16xf32>
      %swap3A_335 = vector.shape_cast %broadcast_in_dim3A_1 : vector<16xf32> to vector<1x16xf32>
      tpu.vector_store %arg5[%swap3A_331, %swap3A_332], %swap3A_335 {strides = array<i32>} : memref<512x128xf32, #tpu.memory_space<vmem>>, vector<1x16xf32>,
      %swap3A_336 = arith.index_cast %scan3A_325 : i32 to index
      %swap3A_337 = arith.constant 32 : index
      %swap3A_338 = tpu.vector_load %arg5[%swap3A_336, %swap3A_337] {strides = array<i32>} : memref<512x128xf32, #tpu.memory_space<vmem>>, vector<1x16xf32>,
      %swap3A_339 = vector.shape_cast %swap3A_338 : vector<1x16xf32> to vector<16xf32>
      %swap3A_340 = vector.shape_cast %broadcast_in_dim3A_1 : vector<16xf32> to vector<1x16xf32>
      tpu.vector_store %arg5[%swap3A_336, %swap3A_337], %swap3A_340 {strides = array<i32>} : memref<512x128xf32, #tpu.memory_space<vmem>>, vector<1x16xf32>,
      %swap3A_341 = arith.index_cast %scan3A_325 : i32 to index
      %swap3A_342 = arith.constant 48 : index
      %swap3A_343 = tpu.vector_load %arg5[%swap3A_341, %swap3A_342] {strides = array<i32>} : memref<512x128xf32, #tpu.memory_space<vmem>>, vector<1x16xf32>,
      %swap3A_344 = vector.shape_cast %swap3A_343 : vector<1x16xf32> to vector<16xf32>
      %swap3A_345 = vector.shape_cast %broadcast_in_dim3A_1 : vector<16xf32> to vector<1x16xf32>
      tpu.vector_store %arg5[%swap3A_341, %swap3A_342], %swap3A_345 {strides = array<i32>} : memref<512x128xf32, #tpu.memory_space<vmem>>, vector<1x16xf32>,
      %swap3A_346 = arith.index_cast %scan3A_325 : i32 to index
      %swap3A_347 = arith.constant 64 : index
      %swap3A_348 = tpu.vector_load %arg5[%swap3A_346, %swap3A_347] {strides = array<i32>} : memref<512x128xf32, #tpu.memory_space<vmem>>, vector<1x16xf32>,
      %swap3A_349 = vector.shape_cast %swap3A_348 : vector<1x16xf32> to vector<16xf32>
      %swap3A_350 = vector.shape_cast %broadcast_in_dim3A_1 : vector<16xf32> to vector<1x16xf32>
      tpu.vector_store %arg5[%swap3A_346, %swap3A_347], %swap3A_350 {strides = array<i32>} : memref<512x128xf32, #tpu.memory_space<vmem>>, vector<1x16xf32>,
      %swap3A_351 = arith.index_cast %scan3A_325 : i32 to index
      %swap3A_352 = arith.constant 80 : index
      %swap3A_353 = tpu.vector_load %arg5[%swap3A_351, %swap3A_352] {strides = array<i32>} : memref<512x128xf32, #tpu.memory_space<vmem>>, vector<1x16xf32>,
      %swap3A_354 = vector.shape_cast %swap3A_353 : vector<1x16xf32> to vector<16xf32>
      %swap3A_355 = vector.shape_cast %broadcast_in_dim3A_1 : vector<16xf32> to vector<1x16xf32>
      tpu.vector_store %arg5[%swap3A_351, %swap3A_352], %swap3A_355 {strides = array<i32>} : memref<512x128xf32, #tpu.memory_space<vmem>>, vector<1x16xf32>,
      %swap3A_356 = arith.index_cast %scan3A_325 : i32 to index
      %swap3A_357 = arith.constant 96 : index
      %swap3A_358 = tpu.vector_load %arg5[%swap3A_356, %swap3A_357] {strides = array<i32>} : memref<512x128xf32, #tpu.memory_space<vmem>>, vector<1x16xf32>,
      %swap3A_359 = vector.shape_cast %swap3A_358 : vector<1x16xf32> to vector<16xf32>
      %swap3A_360 = vector.shape_cast %broadcast_in_dim3A_1 : vector<16xf32> to vector<1x16xf32>
      tpu.vector_store %arg5[%swap3A_356, %swap3A_357], %swap3A_360 {strides = array<i32>} : memref<512x128xf32, #tpu.memory_space<vmem>>, vector<1x16xf32>,
      %swap3A_361 = arith.index_cast %scan3A_325 : i32 to index
      %swap3A_362 = arith.constant 112 : index
      %swap3A_363 = tpu.vector_load %arg5[%swap3A_361, %swap3A_362] {strides = array<i32>} : memref<512x128xf32, #tpu.memory_space<vmem>>, vector<1x16xf32>,
      %swap3A_364 = vector.shape_cast %swap3A_363 : vector<1x16xf32> to vector<16xf32>
      %swap3A_365 = vector.shape_cast %broadcast_in_dim3A_1 : vector<16xf32> to vector<1x16xf32>
      tpu.vector_store %arg5[%swap3A_361, %swap3A_362], %swap3A_365 {strides = array<i32>} : memref<512x128xf32, #tpu.memory_space<vmem>>, vector<1x16xf32>,
      %scan3A_366 = arith.constant 2 : i32
      %scan3A_367 = arith.addi %scan3A_283, %scan3A_366 : i32
      %swap3A_368 = arith.index_cast %scan3A_367 : i32 to index
      %swap3A_369 = arith.constant 0 : index
      %swap3A_370 = tpu.vector_load %arg5[%swap3A_368, %swap3A_369] {strides = array<i32>} : memref<512x128xf32, #tpu.memory_space<vmem>>, vector<1x16xf32>,
      %swap3A_371 = vector.shape_cast %swap3A_370 : vector<1x16xf32> to vector<16xf32>
      %swap3A_372 = vector.shape_cast %broadcast_in_dim3A_1 : vector<16xf32> to vector<1x16xf32>
      tpu.vector_store %arg5[%swap3A_368, %swap3A_369], %swap3A_372 {strides = array<i32>} : memref<512x128xf32, #tpu.memory_space<vmem>>, vector<1x16xf32>,
      %swap3A_373 = arith.index_cast %scan3A_367 : i32 to index
      %swap3A_374 = arith.constant 16 : index
      %swap3A_375 = tpu.vector_load %arg5[%swap3A_373, %swap3A_374] {strides = array<i32>} : memref<512x128xf32, #tpu.memory_space<vmem>>, vector<1x16xf32>,
      %swap3A_376 = vector.shape_cast %swap3A_375 : vector<1x16xf32> to vector<16xf32>
      %swap3A_377 = vector.shape_cast %broadcast_in_dim3A_1 : vector<16xf32> to vector<1x16xf32>
      tpu.vector_store %arg5[%swap3A_373, %swap3A_374], %swap3A_377 {strides = array<i32>} : memref<512x128xf32, #tpu.memory_space<vmem>>, vector<1x16xf32>,
      %swap3A_378 = arith.index_cast %scan3A_367 : i32 to index
      %swap3A_379 = arith.constant 32 : index
      %swap3A_380 = tpu.vector_load %arg5[%swap3A_378, %swap3A_379] {strides = array<i32>} : memref<512x128xf32, #tpu.memory_space<vmem>>, vector<1x16xf32>,
      %swap3A_381 = vector.shape_cast %swap3A_380 : vector<1x16xf32> to vector<16xf32>
      %swap3A_382 = vector.shape_cast %broadcast_in_dim3A_1 : vector<16xf32> to vector<1x16xf32>
      tpu.vector_store %arg5[%swap3A_378, %swap3A_379], %swap3A_382 {strides = array<i32>} : memref<512x128xf32, #tpu.memory_space<vmem>>, vector<1x16xf32>,
      %swap3A_383 = arith.index_cast %scan3A_367 : i32 to index
      %swap3A_384 = arith.constant 48 : index
      %swap3A_385 = tpu.vector_load %arg5[%swap3A_383, %swap3A_384] {strides = array<i32>} : memref<512x128xf32, #tpu.memory_space<vmem>>, vector<1x16xf32>,
      %swap3A_386 = vector.shape_cast %swap3A_385 : vector<1x16xf32> to vector<16xf32>
      %swap3A_387 = vector.shape_cast %broadcast_in_dim3A_1 : vector<16xf32> to vector<1x16xf32>
      tpu.vector_store %arg5[%swap3A_383, %swap3A_384], %swap3A_387 {strides = array<i32>} : memref<512x128xf32, #tpu.memory_space<vmem>>, vector<1x16xf32>,
      %swap3A_388 = arith.index_cast %scan3A_367 : i32 to index
      %swap3A_389 = arith.constant 64 : index
      %swap3A_390 = tpu.vector_load %arg5[%swap3A_388, %swap3A_389] {strides = array<i32>} : memref<512x128xf32, #tpu.memory_space<vmem>>, vector<1x16xf32>,
      %swap3A_391 = vector.shape_cast %swap3A_390 : vector<1x16xf32> to vector<16xf32>
      %swap3A_392 = vector.shape_cast %broadcast_in_dim3A_1 : vector<16xf32> to vector<1x16xf32>
      tpu.vector_store %arg5[%swap3A_388, %swap3A_389], %swap3A_392 {strides = array<i32>} : memref<512x128xf32, #tpu.memory_space<vmem>>, vector<1x16xf32>,
      %swap3A_393 = arith.index_cast %scan3A_367 : i32 to index
      %swap3A_394 = arith.constant 80 : index
      %swap3A_395 = tpu.vector_load %arg5[%swap3A_393, %swap3A_394] {strides = array<i32>} : memref<512x128xf32, #tpu.memory_space<vmem>>, vector<1x16xf32>,
      %swap3A_396 = vector.shape_cast %swap3A_395 : vector<1x16xf32> to vector<16xf32>
      %swap3A_397 = vector.shape_cast %broadcast_in_dim3A_1 : vector<16xf32> to vector<1x16xf32>
      tpu.vector_store %arg5[%swap3A_393, %swap3A_394], %swap3A_397 {strides = array<i32>} : memref<512x128xf32, #tpu.memory_space<vmem>>, vector<1x16xf32>,
      %swap3A_398 = arith.index_cast %scan3A_367 : i32 to index
      %swap3A_399 = arith.constant 96 : index
      %swap3A_400 = tpu.vector_load %arg5[%swap3A_398, %swap3A_399] {strides = array<i32>} : memref<512x128xf32, #tpu.memory_space<vmem>>, vector<1x16xf32>,
      %swap3A_401 = vector.shape_cast %swap3A_400 : vector<1x16xf32> to vector<16xf32>
      %swap3A_402 = vector.shape_cast %broadcast_in_dim3A_1 : vector<16xf32> to vector<1x16xf32>
      tpu.vector_store %arg5[%swap3A_398, %swap3A_399], %swap3A_402 {strides = array<i32>} : memref<512x128xf32, #tpu.memory_space<vmem>>, vector<1x16xf32>,
      %swap3A_403 = arith.index_cast %scan3A_367 : i32 to index
      %swap3A_404 = arith.constant 112 : index
      %swap3A_405 = tpu.vector_load %arg5[%swap3A_403, %swap3A_404] {strides = array<i32>} : memref<512x128xf32, #tpu.memory_space<vmem>>, vector<1x16xf32>,
      %swap3A_406 = vector.shape_cast %swap3A_405 : vector<1x16xf32> to vector<16xf32>
      %swap3A_407 = vector.shape_cast %broadcast_in_dim3A_1 : vector<16xf32> to vector<1x16xf32>
      tpu.vector_store %arg5[%swap3A_403, %swap3A_404], %swap3A_407 {strides = array<i32>} : memref<512x128xf32, #tpu.memory_space<vmem>>, vector<1x16xf32>,
      %scan3A_408 = arith.constant 3 : i32
      %scan3A_409 = arith.addi %scan3A_283, %scan3A_408 : i32
      %swap3A_410 = arith.index_cast %scan3A_409 : i32 to index
      %swap3A_411 = arith.constant 0 : index
      %swap3A_412 = tpu.vector_load %arg5[%swap3A_410, %swap3A_411] {strides = array<i32>} : memref<512x128xf32, #tpu.memory_space<vmem>>, vector<1x16xf32>,
      %swap3A_413 = vector.shape_cast %swap3A_412 : vector<1x16xf32> to vector<16xf32>
      %swap3A_414 = vector.shape_cast %broadcast_in_dim3A_1 : vector<16xf32> to vector<1x16xf32>
      tpu.vector_store %arg5[%swap3A_410, %swap3A_411], %swap3A_414 {strides = array<i32>} : memref<512x128xf32, #tpu.memory_space<vmem>>, vector<1x16xf32>,
      %swap3A_415 = arith.index_cast %scan3A_409 : i32 to index
      %swap3A_416 = arith.constant 16 : index
      %swap3A_417 = tpu.vector_load %arg5[%swap3A_415, %swap3A_416] {strides = array<i32>} : memref<512x128xf32, #tpu.memory_space<vmem>>, vector<1x16xf32>,
      %swap3A_418 = vector.shape_cast %swap3A_417 : vector<1x16xf32> to vector<16xf32>
      %swap3A_419 = vector.shape_cast %broadcast_in_dim3A_1 : vector<16xf32> to vector<1x16xf32>
      tpu.vector_store %arg5[%swap3A_415, %swap3A_416], %swap3A_419 {strides = array<i32>} : memref<512x128xf32, #tpu.memory_space<vmem>>, vector<1x16xf32>,
      %swap3A_420 = arith.index_cast %scan3A_409 : i32 to index
      %swap3A_421 = arith.constant 32 : index
      %swap3A_422 = tpu.vector_load %arg5[%swap3A_420, %swap3A_421] {strides = array<i32>} : memref<512x128xf32, #tpu.memory_space<vmem>>, vector<1x16xf32>,
      %swap3A_423 = vector.shape_cast %swap3A_422 : vector<1x16xf32> to vector<16xf32>
      %swap3A_424 = vector.shape_cast %broadcast_in_dim3A_1 : vector<16xf32> to vector<1x16xf32>
      tpu.vector_store %arg5[%swap3A_420, %swap3A_421], %swap3A_424 {strides = array<i32>} : memref<512x128xf32, #tpu.memory_space<vmem>>, vector<1x16xf32>,
      %swap3A_425 = arith.index_cast %scan3A_409 : i32 to index
      %swap3A_426 = arith.constant 48 : index
      %swap3A_427 = tpu.vector_load %arg5[%swap3A_425, %swap3A_426] {strides = array<i32>} : memref<512x128xf32, #tpu.memory_space<vmem>>, vector<1x16xf32>,
      %swap3A_428 = vector.shape_cast %swap3A_427 : vector<1x16xf32> to vector<16xf32>
      %swap3A_429 = vector.shape_cast %broadcast_in_dim3A_1 : vector<16xf32> to vector<1x16xf32>
      tpu.vector_store %arg5[%swap3A_425, %swap3A_426], %swap3A_429 {strides = array<i32>} : memref<512x128xf32, #tpu.memory_space<vmem>>, vector<1x16xf32>,
      %swap3A_430 = arith.index_cast %scan3A_409 : i32 to index
      %swap3A_431 = arith.constant 64 : index
      %swap3A_432 = tpu.vector_load %arg5[%swap3A_430, %swap3A_431] {strides = array<i32>} : memref<512x128xf32, #tpu.memory_space<vmem>>, vector<1x16xf32>,
      %swap3A_433 = vector.shape_cast %swap3A_432 : vector<1x16xf32> to vector<16xf32>
      %swap3A_434 = vector.shape_cast %broadcast_in_dim3A_1 : vector<16xf32> to vector<1x16xf32>
      tpu.vector_store %arg5[%swap3A_430, %swap3A_431], %swap3A_434 {strides = array<i32>} : memref<512x128xf32, #tpu.memory_space<vmem>>, vector<1x16xf32>,
      %swap3A_435 = arith.index_cast %scan3A_409 : i32 to index
      %swap3A_436 = arith.constant 80 : index
      %swap3A_437 = tpu.vector_load %arg5[%swap3A_435, %swap3A_436] {strides = array<i32>} : memref<512x128xf32, #tpu.memory_space<vmem>>, vector<1x16xf32>,
      %swap3A_438 = vector.shape_cast %swap3A_437 : vector<1x16xf32> to vector<16xf32>
      %swap3A_439 = vector.shape_cast %broadcast_in_dim3A_1 : vector<16xf32> to vector<1x16xf32>
      tpu.vector_store %arg5[%swap3A_435, %swap3A_436], %swap3A_439 {strides = array<i32>} : memref<512x128xf32, #tpu.memory_space<vmem>>, vector<1x16xf32>,
      %swap3A_440 = arith.index_cast %scan3A_409 : i32 to index
      %swap3A_441 = arith.constant 96 : index
      %swap3A_442 = tpu.vector_load %arg5[%swap3A_440, %swap3A_441] {strides = array<i32>} : memref<512x128xf32, #tpu.memory_space<vmem>>, vector<1x16xf32>,
      %swap3A_443 = vector.shape_cast %swap3A_442 : vector<1x16xf32> to vector<16xf32>
      %swap3A_444 = vector.shape_cast %broadcast_in_dim3A_1 : vector<16xf32> to vector<1x16xf32>
      tpu.vector_store %arg5[%swap3A_440, %swap3A_441], %swap3A_444 {strides = array<i32>} : memref<512x128xf32, #tpu.memory_space<vmem>>, vector<1x16xf32>,
      %swap3A_445 = arith.index_cast %scan3A_409 : i32 to index
      %swap3A_446 = arith.constant 112 : index
      %swap3A_447 = tpu.vector_load %arg5[%swap3A_445, %swap3A_446] {strides = array<i32>} : memref<512x128xf32, #tpu.memory_space<vmem>>, vector<1x16xf32>,
      %swap3A_448 = vector.shape_cast %swap3A_447 : vector<1x16xf32> to vector<16xf32>
      %swap3A_449 = vector.shape_cast %broadcast_in_dim3A_1 : vector<16xf32> to vector<1x16xf32>
      tpu.vector_store %arg5[%swap3A_445, %swap3A_446], %swap3A_449 {strides = array<i32>} : memref<512x128xf32, #tpu.memory_space<vmem>>, vector<1x16xf32>,
      %scan3A_450 = arith.constant 4 : i32
      %scan3A_451 = arith.addi %scan3A_283, %scan3A_450 : i32
      %swap3A_452 = arith.index_cast %scan3A_451 : i32 to index
      %swap3A_453 = arith.constant 0 : index
      %swap3A_454 = tpu.vector_load %arg5[%swap3A_452, %swap3A_453] {strides = array<i32>} : memref<512x128xf32, #tpu.memory_space<vmem>>, vector<1x16xf32>,
      %swap3A_455 = vector.shape_cast %swap3A_454 : vector<1x16xf32> to vector<16xf32>
      %swap3A_456 = vector.shape_cast %broadcast_in_dim3A_1 : vector<16xf32> to vector<1x16xf32>
      tpu.vector_store %arg5[%swap3A_452, %swap3A_453], %swap3A_456 {strides = array<i32>} : memref<512x128xf32, #tpu.memory_space<vmem>>, vector<1x16xf32>,
      %swap3A_457 = arith.index_cast %scan3A_451 : i32 to index
      %swap3A_458 = arith.constant 16 : index
      %swap3A_459 = tpu.vector_load %arg5[%swap3A_457, %swap3A_458] {strides = array<i32>} : memref<512x128xf32, #tpu.memory_space<vmem>>, vector<1x16xf32>,
      %swap3A_460 = vector.shape_cast %swap3A_459 : vector<1x16xf32> to vector<16xf32>
      %swap3A_461 = vector.shape_cast %broadcast_in_dim3A_1 : vector<16xf32> to vector<1x16xf32>
      tpu.vector_store %arg5[%swap3A_457, %swap3A_458], %swap3A_461 {strides = array<i32>} : memref<512x128xf32, #tpu.memory_space<vmem>>, vector<1x16xf32>,
      %swap3A_462 = arith.index_cast %scan3A_451 : i32 to index
      %swap3A_463 = arith.constant 32 : index
      %swap3A_464 = tpu.vector_load %arg5[%swap3A_462, %swap3A_463] {strides = array<i32>} : memref<512x128xf32, #tpu.memory_space<vmem>>, vector<1x16xf32>,
      %swap3A_465 = vector.shape_cast %swap3A_464 : vector<1x16xf32> to vector<16xf32>
      %swap3A_466 = vector.shape_cast %broadcast_in_dim3A_1 : vector<16xf32> to vector<1x16xf32>
      tpu.vector_store %arg5[%swap3A_462, %swap3A_463], %swap3A_466 {strides = array<i32>} : memref<512x128xf32, #tpu.memory_space<vmem>>, vector<1x16xf32>,
      %swap3A_467 = arith.index_cast %scan3A_451 : i32 to index
      %swap3A_468 = arith.constant 48 : index
      %swap3A_469 = tpu.vector_load %arg5[%swap3A_467, %swap3A_468] {strides = array<i32>} : memref<512x128xf32, #tpu.memory_space<vmem>>, vector<1x16xf32>,
      %swap3A_470 = vector.shape_cast %swap3A_469 : vector<1x16xf32> to vector<16xf32>
      %swap3A_471 = vector.shape_cast %broadcast_in_dim3A_1 : vector<16xf32> to vector<1x16xf32>
      tpu.vector_store %arg5[%swap3A_467, %swap3A_468], %swap3A_471 {strides = array<i32>} : memref<512x128xf32, #tpu.memory_space<vmem>>, vector<1x16xf32>,
      %swap3A_472 = arith.index_cast %scan3A_451 : i32 to index
      %swap3A_473 = arith.constant 64 : index
      %swap3A_474 = tpu.vector_load %arg5[%swap3A_472, %swap3A_473] {strides = array<i32>} : memref<512x128xf32, #tpu.memory_space<vmem>>, vector<1x16xf32>,
      %swap3A_475 = vector.shape_cast %swap3A_474 : vector<1x16xf32> to vector<16xf32>
      %swap3A_476 = vector.shape_cast %broadcast_in_dim3A_1 : vector<16xf32> to vector<1x16xf32>
      tpu.vector_store %arg5[%swap3A_472, %swap3A_473], %swap3A_476 {strides = array<i32>} : memref<512x128xf32, #tpu.memory_space<vmem>>, vector<1x16xf32>,
      %swap3A_477 = arith.index_cast %scan3A_451 : i32 to index
      %swap3A_478 = arith.constant 80 : index
      %swap3A_479 = tpu.vector_load %arg5[%swap3A_477, %swap3A_478] {strides = array<i32>} : memref<512x128xf32, #tpu.memory_space<vmem>>, vector<1x16xf32>,
      %swap3A_480 = vector.shape_cast %swap3A_479 : vector<1x16xf32> to vector<16xf32>
      %swap3A_481 = vector.shape_cast %broadcast_in_dim3A_1 : vector<16xf32> to vector<1x16xf32>
      tpu.vector_store %arg5[%swap3A_477, %swap3A_478], %swap3A_481 {strides = array<i32>} : memref<512x128xf32, #tpu.memory_space<vmem>>, vector<1x16xf32>,
      %swap3A_482 = arith.index_cast %scan3A_451 : i32 to index
      %swap3A_483 = arith.constant 96 : index
      %swap3A_484 = tpu.vector_load %arg5[%swap3A_482, %swap3A_483] {strides = array<i32>} : memref<512x128xf32, #tpu.memory_space<vmem>>, vector<1x16xf32>,
      %swap3A_485 = vector.shape_cast %swap3A_484 : vector<1x16xf32> to vector<16xf32>
      %swap3A_486 = vector.shape_cast %broadcast_in_dim3A_1 : vector<16xf32> to vector<1x16xf32>
      tpu.vector_store %arg5[%swap3A_482, %swap3A_483], %swap3A_486 {strides = array<i32>} : memref<512x128xf32, #tpu.memory_space<vmem>>, vector<1x16xf32>,
      %swap3A_487 = arith.index_cast %scan3A_451 : i32 to index
      %swap3A_488 = arith.constant 112 : index
      %swap3A_489 = tpu.vector_load %arg5[%swap3A_487, %swap3A_488] {strides = array<i32>} : memref<512x128xf32, #tpu.memory_space<vmem>>, vector<1x16xf32>,
      %swap3A_490 = vector.shape_cast %swap3A_489 : vector<1x16xf32> to vector<16xf32>
      %swap3A_491 = vector.shape_cast %broadcast_in_dim3A_1 : vector<16xf32> to vector<1x16xf32>
      tpu.vector_store %arg5[%swap3A_487, %swap3A_488], %swap3A_491 {strides = array<i32>} : memref<512x128xf32, #tpu.memory_space<vmem>>, vector<1x16xf32>,
      %scan3A_492 = arith.constant 5 : i32
      %scan3A_493 = arith.addi %scan3A_283, %scan3A_492 : i32
      %swap3A_494 = arith.index_cast %scan3A_493 : i32 to index
      %swap3A_495 = arith.constant 0 : index
      %swap3A_496 = tpu.vector_load %arg5[%swap3A_494, %swap3A_495] {strides = array<i32>} : memref<512x128xf32, #tpu.memory_space<vmem>>, vector<1x16xf32>,
      %swap3A_497 = vector.shape_cast %swap3A_496 : vector<1x16xf32> to vector<16xf32>
      %swap3A_498 = vector.shape_cast %broadcast_in_dim3A_1 : vector<16xf32> to vector<1x16xf32>
      tpu.vector_store %arg5[%swap3A_494, %swap3A_495], %swap3A_498 {strides = array<i32>} : memref<512x128xf32, #tpu.memory_space<vmem>>, vector<1x16xf32>,
      %swap3A_499 = arith.index_cast %scan3A_493 : i32 to index
      %swap3A_500 = arith.constant 16 : index
      %swap3A_501 = tpu.vector_load %arg5[%swap3A_499, %swap3A_500] {strides = array<i32>} : memref<512x128xf32, #tpu.memory_space<vmem>>, vector<1x16xf32>,
      %swap3A_502 = vector.shape_cast %swap3A_501 : vector<1x16xf32> to vector<16xf32>
      %swap3A_503 = vector.shape_cast %broadcast_in_dim3A_1 : vector<16xf32> to vector<1x16xf32>
      tpu.vector_store %arg5[%swap3A_499, %swap3A_500], %swap3A_503 {strides = array<i32>} : memref<512x128xf32, #tpu.memory_space<vmem>>, vector<1x16xf32>,
      %swap3A_504 = arith.index_cast %scan3A_493 : i32 to index
      %swap3A_505 = arith.constant 32 : index
      %swap3A_506 = tpu.vector_load %arg5[%swap3A_504, %swap3A_505] {strides = array<i32>} : memref<512x128xf32, #tpu.memory_space<vmem>>, vector<1x16xf32>,
      %swap3A_507 = vector.shape_cast %swap3A_506 : vector<1x16xf32> to vector<16xf32>
      %swap3A_508 = vector.shape_cast %broadcast_in_dim3A_1 : vector<16xf32> to vector<1x16xf32>
      tpu.vector_store %arg5[%swap3A_504, %swap3A_505], %swap3A_508 {strides = array<i32>} : memref<512x128xf32, #tpu.memory_space<vmem>>, vector<1x16xf32>,
      %swap3A_509 = arith.index_cast %scan3A_493 : i32 to index
      %swap3A_510 = arith.constant 48 : index
      %swap3A_511 = tpu.vector_load %arg5[%swap3A_509, %swap3A_510] {strides = array<i32>} : memref<512x128xf32, #tpu.memory_space<vmem>>, vector<1x16xf32>,
      %swap3A_512 = vector.shape_cast %swap3A_511 : vector<1x16xf32> to vector<16xf32>
      %swap3A_513 = vector.shape_cast %broadcast_in_dim3A_1 : vector<16xf32> to vector<1x16xf32>
      tpu.vector_store %arg5[%swap3A_509, %swap3A_510], %swap3A_513 {strides = array<i32>} : memref<512x128xf32, #tpu.memory_space<vmem>>, vector<1x16xf32>,
      %swap3A_514 = arith.index_cast %scan3A_493 : i32 to index
      %swap3A_515 = arith.constant 64 : index
      %swap3A_516 = tpu.vector_load %arg5[%swap3A_514, %swap3A_515] {strides = array<i32>} : memref<512x128xf32, #tpu.memory_space<vmem>>, vector<1x16xf32>,
      %swap3A_517 = vector.shape_cast %swap3A_516 : vector<1x16xf32> to vector<16xf32>
      %swap3A_518 = vector.shape_cast %broadcast_in_dim3A_1 : vector<16xf32> to vector<1x16xf32>
      tpu.vector_store %arg5[%swap3A_514, %swap3A_515], %swap3A_518 {strides = array<i32>} : memref<512x128xf32, #tpu.memory_space<vmem>>, vector<1x16xf32>,
      %swap3A_519 = arith.index_cast %scan3A_493 : i32 to index
      %swap3A_520 = arith.constant 80 : index
      %swap3A_521 = tpu.vector_load %arg5[%swap3A_519, %swap3A_520] {strides = array<i32>} : memref<512x128xf32, #tpu.memory_space<vmem>>, vector<1x16xf32>,
      %swap3A_522 = vector.shape_cast %swap3A_521 : vector<1x16xf32> to vector<16xf32>
      %swap3A_523 = vector.shape_cast %broadcast_in_dim3A_1 : vector<16xf32> to vector<1x16xf32>
      tpu.vector_store %arg5[%swap3A_519, %swap3A_520], %swap3A_523 {strides = array<i32>} : memref<512x128xf32, #tpu.memory_space<vmem>>, vector<1x16xf32>,
      %swap3A_524 = arith.index_cast %scan3A_493 : i32 to index
      %swap3A_525 = arith.constant 96 : index
      %swap3A_526 = tpu.vector_load %arg5[%swap3A_524, %swap3A_525] {strides = array<i32>} : memref<512x128xf32, #tpu.memory_space<vmem>>, vector<1x16xf32>,
      %swap3A_527 = vector.shape_cast %swap3A_526 : vector<1x16xf32> to vector<16xf32>
      %swap3A_528 = vector.shape_cast %broadcast_in_dim3A_1 : vector<16xf32> to vector<1x16xf32>
      tpu.vector_store %arg5[%swap3A_524, %swap3A_525], %swap3A_528 {strides = array<i32>} : memref<512x128xf32, #tpu.memory_space<vmem>>, vector<1x16xf32>,
      %swap3A_529 = arith.index_cast %scan3A_493 : i32 to index
      %swap3A_530 = arith.constant 112 : index
      %swap3A_531 = tpu.vector_load %arg5[%swap3A_529, %swap3A_530] {strides = array<i32>} : memref<512x128xf32, #tpu.memory_space<vmem>>, vector<1x16xf32>,
      %swap3A_532 = vector.shape_cast %swap3A_531 : vector<1x16xf32> to vector<16xf32>
      %swap3A_533 = vector.shape_cast %broadcast_in_dim3A_1 : vector<16xf32> to vector<1x16xf32>
      tpu.vector_store %arg5[%swap3A_529, %swap3A_530], %swap3A_533 {strides = array<i32>} : memref<512x128xf32, #tpu.memory_space<vmem>>, vector<1x16xf32>,
      %scan3A_534 = arith.constant 6 : i32
      %scan3A_535 = arith.addi %scan3A_283, %scan3A_534 : i32
      %swap3A_536 = arith.index_cast %scan3A_535 : i32 to index
      %swap3A_537 = arith.constant 0 : index
      %swap3A_538 = tpu.vector_load %arg5[%swap3A_536, %swap3A_537] {strides = array<i32>} : memref<512x128xf32, #tpu.memory_space<vmem>>, vector<1x16xf32>,
      %swap3A_539 = vector.shape_cast %swap3A_538 : vector<1x16xf32> to vector<16xf32>
      %swap3A_540 = vector.shape_cast %broadcast_in_dim3A_1 : vector<16xf32> to vector<1x16xf32>
      tpu.vector_store %arg5[%swap3A_536, %swap3A_537], %swap3A_540 {strides = array<i32>} : memref<512x128xf32, #tpu.memory_space<vmem>>, vector<1x16xf32>,
      %swap3A_541 = arith.index_cast %scan3A_535 : i32 to index
      %swap3A_542 = arith.constant 16 : index
      %swap3A_543 = tpu.vector_load %arg5[%swap3A_541, %swap3A_542] {strides = array<i32>} : memref<512x128xf32, #tpu.memory_space<vmem>>, vector<1x16xf32>,
      %swap3A_544 = vector.shape_cast %swap3A_543 : vector<1x16xf32> to vector<16xf32>
      %swap3A_545 = vector.shape_cast %broadcast_in_dim3A_1 : vector<16xf32> to vector<1x16xf32>
      tpu.vector_store %arg5[%swap3A_541, %swap3A_542], %swap3A_545 {strides = array<i32>} : memref<512x128xf32, #tpu.memory_space<vmem>>, vector<1x16xf32>,
      %swap3A_546 = arith.index_cast %scan3A_535 : i32 to index
      %swap3A_547 = arith.constant 32 : index
      %swap3A_548 = tpu.vector_load %arg5[%swap3A_546, %swap3A_547] {strides = array<i32>} : memref<512x128xf32, #tpu.memory_space<vmem>>, vector<1x16xf32>,
      %swap3A_549 = vector.shape_cast %swap3A_548 : vector<1x16xf32> to vector<16xf32>
      %swap3A_550 = vector.shape_cast %broadcast_in_dim3A_1 : vector<16xf32> to vector<1x16xf32>
      tpu.vector_store %arg5[%swap3A_546, %swap3A_547], %swap3A_550 {strides = array<i32>} : memref<512x128xf32, #tpu.memory_space<vmem>>, vector<1x16xf32>,
      %swap3A_551 = arith.index_cast %scan3A_535 : i32 to index
      %swap3A_552 = arith.constant 48 : index
      %swap3A_553 = tpu.vector_load %arg5[%swap3A_551, %swap3A_552] {strides = array<i32>} : memref<512x128xf32, #tpu.memory_space<vmem>>, vector<1x16xf32>,
      %swap3A_554 = vector.shape_cast %swap3A_553 : vector<1x16xf32> to vector<16xf32>
      %swap3A_555 = vector.shape_cast %broadcast_in_dim3A_1 : vector<16xf32> to vector<1x16xf32>
      tpu.vector_store %arg5[%swap3A_551, %swap3A_552], %swap3A_555 {strides = array<i32>} : memref<512x128xf32, #tpu.memory_space<vmem>>, vector<1x16xf32>,
      %swap3A_556 = arith.index_cast %scan3A_535 : i32 to index
      %swap3A_557 = arith.constant 64 : index
      %swap3A_558 = tpu.vector_load %arg5[%swap3A_556, %swap3A_557] {strides = array<i32>} : memref<512x128xf32, #tpu.memory_space<vmem>>, vector<1x16xf32>,
      %swap3A_559 = vector.shape_cast %swap3A_558 : vector<1x16xf32> to vector<16xf32>
      %swap3A_560 = vector.shape_cast %broadcast_in_dim3A_1 : vector<16xf32> to vector<1x16xf32>
      tpu.vector_store %arg5[%swap3A_556, %swap3A_557], %swap3A_560 {strides = array<i32>} : memref<512x128xf32, #tpu.memory_space<vmem>>, vector<1x16xf32>,
      %swap3A_561 = arith.index_cast %scan3A_535 : i32 to index
      %swap3A_562 = arith.constant 80 : index
      %swap3A_563 = tpu.vector_load %arg5[%swap3A_561, %swap3A_562] {strides = array<i32>} : memref<512x128xf32, #tpu.memory_space<vmem>>, vector<1x16xf32>,
      %swap3A_564 = vector.shape_cast %swap3A_563 : vector<1x16xf32> to vector<16xf32>
      %swap3A_565 = vector.shape_cast %broadcast_in_dim3A_1 : vector<16xf32> to vector<1x16xf32>
      tpu.vector_store %arg5[%swap3A_561, %swap3A_562], %swap3A_565 {strides = array<i32>} : memref<512x128xf32, #tpu.memory_space<vmem>>, vector<1x16xf32>,
      %swap3A_566 = arith.index_cast %scan3A_535 : i32 to index
      %swap3A_567 = arith.constant 96 : index
      %swap3A_568 = tpu.vector_load %arg5[%swap3A_566, %swap3A_567] {strides = array<i32>} : memref<512x128xf32, #tpu.memory_space<vmem>>, vector<1x16xf32>,
      %swap3A_569 = vector.shape_cast %swap3A_568 : vector<1x16xf32> to vector<16xf32>
      %swap3A_570 = vector.shape_cast %broadcast_in_dim3A_1 : vector<16xf32> to vector<1x16xf32>
      tpu.vector_store %arg5[%swap3A_566, %swap3A_567], %swap3A_570 {strides = array<i32>} : memref<512x128xf32, #tpu.memory_space<vmem>>, vector<1x16xf32>,
      %swap3A_571 = arith.index_cast %scan3A_535 : i32 to index
      %swap3A_572 = arith.constant 112 : index
      %swap3A_573 = tpu.vector_load %arg5[%swap3A_571, %swap3A_572] {strides = array<i32>} : memref<512x128xf32, #tpu.memory_space<vmem>>, vector<1x16xf32>,
      %swap3A_574 = vector.shape_cast %swap3A_573 : vector<1x16xf32> to vector<16xf32>
      %swap3A_575 = vector.shape_cast %broadcast_in_dim3A_1 : vector<16xf32> to vector<1x16xf32>
      tpu.vector_store %arg5[%swap3A_571, %swap3A_572], %swap3A_575 {strides = array<i32>} : memref<512x128xf32, #tpu.memory_space<vmem>>, vector<1x16xf32>,
      %scan3A_576 = arith.constant 7 : i32
      %scan3A_577 = arith.addi %scan3A_283, %scan3A_576 : i32
      %swap3A_578 = arith.index_cast %scan3A_577 : i32 to index
      %swap3A_579 = arith.constant 0 : index
      %swap3A_580 = tpu.vector_load %arg5[%swap3A_578, %swap3A_579] {strides = array<i32>} : memref<512x128xf32, #tpu.memory_space<vmem>>, vector<1x16xf32>,
      %swap3A_581 = vector.shape_cast %swap3A_580 : vector<1x16xf32> to vector<16xf32>
      %swap3A_582 = vector.shape_cast %broadcast_in_dim3A_1 : vector<16xf32> to vector<1x16xf32>
      tpu.vector_store %arg5[%swap3A_578, %swap3A_579], %swap3A_582 {strides = array<i32>} : memref<512x128xf32, #tpu.memory_space<vmem>>, vector<1x16xf32>,
      %swap3A_583 = arith.index_cast %scan3A_577 : i32 to index
      %swap3A_584 = arith.constant 16 : index
      %swap3A_585 = tpu.vector_load %arg5[%swap3A_583, %swap3A_584] {strides = array<i32>} : memref<512x128xf32, #tpu.memory_space<vmem>>, vector<1x16xf32>,
      %swap3A_586 = vector.shape_cast %swap3A_585 : vector<1x16xf32> to vector<16xf32>
      %swap3A_587 = vector.shape_cast %broadcast_in_dim3A_1 : vector<16xf32> to vector<1x16xf32>
      tpu.vector_store %arg5[%swap3A_583, %swap3A_584], %swap3A_587 {strides = array<i32>} : memref<512x128xf32, #tpu.memory_space<vmem>>, vector<1x16xf32>,
      %swap3A_588 = arith.index_cast %scan3A_577 : i32 to index
      %swap3A_589 = arith.constant 32 : index
      %swap3A_590 = tpu.vector_load %arg5[%swap3A_588, %swap3A_589] {strides = array<i32>} : memref<512x128xf32, #tpu.memory_space<vmem>>, vector<1x16xf32>,
      %swap3A_591 = vector.shape_cast %swap3A_590 : vector<1x16xf32> to vector<16xf32>
      %swap3A_592 = vector.shape_cast %broadcast_in_dim3A_1 : vector<16xf32> to vector<1x16xf32>
      tpu.vector_store %arg5[%swap3A_588, %swap3A_589], %swap3A_592 {strides = array<i32>} : memref<512x128xf32, #tpu.memory_space<vmem>>, vector<1x16xf32>,
      %swap3A_593 = arith.index_cast %scan3A_577 : i32 to index
      %swap3A_594 = arith.constant 48 : index
      %swap3A_595 = tpu.vector_load %arg5[%swap3A_593, %swap3A_594] {strides = array<i32>} : memref<512x128xf32, #tpu.memory_space<vmem>>, vector<1x16xf32>,
      %swap3A_596 = vector.shape_cast %swap3A_595 : vector<1x16xf32> to vector<16xf32>
      %swap3A_597 = vector.shape_cast %broadcast_in_dim3A_1 : vector<16xf32> to vector<1x16xf32>
      tpu.vector_store %arg5[%swap3A_593, %swap3A_594], %swap3A_597 {strides = array<i32>} : memref<512x128xf32, #tpu.memory_space<vmem>>, vector<1x16xf32>,
      %swap3A_598 = arith.index_cast %scan3A_577 : i32 to index
      %swap3A_599 = arith.constant 64 : index
      %swap3A_600 = tpu.vector_load %arg5[%swap3A_598, %swap3A_599] {strides = array<i32>} : memref<512x128xf32, #tpu.memory_space<vmem>>, vector<1x16xf32>,
      %swap3A_601 = vector.shape_cast %swap3A_600 : vector<1x16xf32> to vector<16xf32>
      %swap3A_602 = vector.shape_cast %broadcast_in_dim3A_1 : vector<16xf32> to vector<1x16xf32>
      tpu.vector_store %arg5[%swap3A_598, %swap3A_599], %swap3A_602 {strides = array<i32>} : memref<512x128xf32, #tpu.memory_space<vmem>>, vector<1x16xf32>,
      %swap3A_603 = arith.index_cast %scan3A_577 : i32 to index
      %swap3A_604 = arith.constant 80 : index
      %swap3A_605 = tpu.vector_load %arg5[%swap3A_603, %swap3A_604] {strides = array<i32>} : memref<512x128xf32, #tpu.memory_space<vmem>>, vector<1x16xf32>,
      %swap3A_606 = vector.shape_cast %swap3A_605 : vector<1x16xf32> to vector<16xf32>
      %swap3A_607 = vector.shape_cast %broadcast_in_dim3A_1 : vector<16xf32> to vector<1x16xf32>
      tpu.vector_store %arg5[%swap3A_603, %swap3A_604], %swap3A_607 {strides = array<i32>} : memref<512x128xf32, #tpu.memory_space<vmem>>, vector<1x16xf32>,
      %swap3A_608 = arith.index_cast %scan3A_577 : i32 to index
      %swap3A_609 = arith.constant 96 : index
      %swap3A_610 = tpu.vector_load %arg5[%swap3A_608, %swap3A_609] {strides = array<i32>} : memref<512x128xf32, #tpu.memory_space<vmem>>, vector<1x16xf32>,
      %swap3A_611 = vector.shape_cast %swap3A_610 : vector<1x16xf32> to vector<16xf32>
      %swap3A_612 = vector.shape_cast %broadcast_in_dim3A_1 : vector<16xf32> to vector<1x16xf32>
      tpu.vector_store %arg5[%swap3A_608, %swap3A_609], %swap3A_612 {strides = array<i32>} : memref<512x128xf32, #tpu.memory_space<vmem>>, vector<1x16xf32>,
      %swap3A_613 = arith.index_cast %scan3A_577 : i32 to index
      %swap3A_614 = arith.constant 112 : index
      %swap3A_615 = tpu.vector_load %arg5[%swap3A_613, %swap3A_614] {strides = array<i32>} : memref<512x128xf32, #tpu.memory_space<vmem>>, vector<1x16xf32>,
      %swap3A_616 = vector.shape_cast %swap3A_615 : vector<1x16xf32> to vector<16xf32>
      %swap3A_617 = vector.shape_cast %broadcast_in_dim3A_1 : vector<16xf32> to vector<1x16xf32>
      tpu.vector_store %arg5[%swap3A_613, %swap3A_614], %swap3A_617 {strides = array<i32>} : memref<512x128xf32, #tpu.memory_space<vmem>>, vector<1x16xf32>,
    }
    %scan3A_6 = arith.constant 512 : i32
    %mul3A_7 = arith.constant 4 : i32
    %mul3A_8 = arith.muli %add3A, %mul3A_7 : i32
    %add3A_9 = arith.constant 0 : i32
    %add3A_10 = arith.addi %mul3A_8, %add3A_9 : i32
    %mul3A_11 = arith.constant 4096 : i32
    %mul3A_12 = arith.muli %add3A_10, %mul3A_11 : i32
    %add3A_13 = arith.constant 0 : i32
    %add3A_14 = arith.addi %mul3A_12, %add3A_13 : i32
    %dma_start3A = arith.constant 0 : i32
    %dma_start3A_15 = tpu.memref_slice %arg4[%add3A_14, %dma_start3A] : memref<524288x128xf32, #tpu.memory_space<hbm>> -> memref<512x128xf32, #tpu.memory_space<hbm>>
    %dma_start3A_16 = arith.constant 0 : i32
    %dma_start3A_17 = tpu.memref_slice %arg4[%add3A_14, %dma_start3A_16] : memref<524288x128xf32, #tpu.memory_space<hbm>> -> memref<512x128xf32, #tpu.memory_space<hbm>>
    tpu.enqueue_dma source(%arg5 : memref<512x128xf32, #tpu.memory_space<vmem>>) target(%dma_start3A_17 : memref<512x128xf32, #tpu.memory_space<hbm>>) target_semaphore(%arg9 : memref<!tpu.dma_semaphore, #tpu.memory_space<semaphore_mem>>)
    %add3A_18 = arith.constant 0 : i32
    %add3A_19 = arith.addi %mul3A_8, %add3A_18 : i32
    %mul3A_20 = arith.constant 4096 : i32
    %mul3A_21 = arith.muli %add3A_19, %mul3A_20 : i32
    %add3A_22 = arith.constant 512 : i32
    %add3A_23 = arith.addi %mul3A_21, %add3A_22 : i32
    %dma_start3A_24 = arith.constant 0 : i32
    %dma_start3A_25 = tpu.memref_slice %arg4[%add3A_23, %dma_start3A_24] : memref<524288x128xf32, #tpu.memory_space<hbm>> -> memref<512x128xf32, #tpu.memory_space<hbm>>
    %dma_start3A_26 = arith.constant 0 : i32
    %dma_start3A_27 = tpu.memref_slice %arg4[%add3A_23, %dma_start3A_26] : memref<524288x128xf32, #tpu.memory_space<hbm>> -> memref<512x128xf32, #tpu.memory_space<hbm>>
    tpu.enqueue_dma source(%arg5 : memref<512x128xf32, #tpu.memory_space<vmem>>) target(%dma_start3A_27 : memref<512x128xf32, #tpu.memory_space<hbm>>) target_semaphore(%arg9 : memref<!tpu.dma_semaphore, #tpu.memory_space<semaphore_mem>>)
    %add3A_28 = arith.constant 0 : i32
    %add3A_29 = arith.addi %mul3A_8, %add3A_28 : i32
    %mul3A_30 = arith.constant 4096 : i32
    %mul3A_31 = arith.muli %add3A_29, %mul3A_30 : i32
    %add3A_32 = arith.constant 1024 : i32
    %add3A_33 = arith.addi %mul3A_31, %add3A_32 : i32
    %dma_start3A_34 = arith.constant 0 : i32
    %dma_start3A_35 = tpu.memref_slice %arg4[%add3A_33, %dma_start3A_34] : memref<524288x128xf32, #tpu.memory_space<hbm>> -> memref<512x128xf32, #tpu.memory_space<hbm>>
    %dma_start3A_36 = arith.constant 0 : i32
    %dma_start3A_37 = tpu.memref_slice %arg4[%add3A_33, %dma_start3A_36] : memref<524288x128xf32, #tpu.memory_space<hbm>> -> memref<512x128xf32, #tpu.memory_space<hbm>>
    tpu.enqueue_dma source(%arg5 : memref<512x128xf32, #tpu.memory_space<vmem>>) target(%dma_start3A_37 : memref<512x128xf32, #tpu.memory_space<hbm>>) target_semaphore(%arg9 : memref<!tpu.dma_semaphore, #tpu.memory_space<semaphore_mem>>)
    %add3A_38 = arith.constant 0 : i32
    %add3A_39 = arith.addi %mul3A_8, %add3A_38 : i32
    %mul3A_40 = arith.constant 4096 : i32
    %mul3A_41 = arith.muli %add3A_39, %mul3A_40 : i32
    %add3A_42 = arith.constant 1536 : i32
    %add3A_43 = arith.addi %mul3A_41, %add3A_42 : i32
    %dma_start3A_44 = arith.constant 0 : i32
    %dma_start3A_45 = tpu.memref_slice %arg4[%add3A_43, %dma_start3A_44] : memref<524288x128xf32, #tpu.memory_space<hbm>> -> memref<512x128xf32, #tpu.memory_space<hbm>>
    %dma_start3A_46 = arith.constant 0 : i32
    %dma_start3A_47 = tpu.memref_slice %arg4[%add3A_43, %dma_start3A_46] : memref<524288x128xf32, #tpu.memory_space<hbm>> -> memref<512x128xf32, #tpu.memory_space<hbm>>
    tpu.enqueue_dma source(%arg5 : memref<512x128xf32, #tpu.memory_space<vmem>>) target(%dma_start3A_47 : memref<512x128xf32, #tpu.memory_space<hbm>>) target_semaphore(%arg9 : memref<!tpu.dma_semaphore, #tpu.memory_space<semaphore_mem>>)
    %add3A_48 = arith.constant 1 : i32
    %add3A_49 = arith.addi %mul3A_8, %add3A_48 : i32
    %mul3A_50 = arith.constant 4096 : i32
    %mul3A_51 = arith.muli %add3A_49, %mul3A_50 : i32
    %add3A_52 = arith.constant 0 : i32
    %add3A_53 = arith.addi %mul3A_51, %add3A_52 : i32
    %dma_start3A_54 = arith.constant 0 : i32
    %dma_start3A_55 = tpu.memref_slice %arg4[%add3A_53, %dma_start3A_54] : memref<524288x128xf32, #tpu.memory_space<hbm>> -> memref<512x128xf32, #tpu.memory_space<hbm>>
    %dma_start3A_56 = arith.constant 0 : i32
    %dma_start3A_57 = tpu.memref_slice %arg4[%add3A_53, %dma_start3A_56] : memref<524288x128xf32, #tpu.memory_space<hbm>> -> memref<512x128xf32, #tpu.memory_space<hbm>>
    tpu.enqueue_dma source(%arg5 : memref<512x128xf32, #tpu.memory_space<vmem>>) target(%dma_start3A_57 : memref<512x128xf32, #tpu.memory_space<hbm>>) target_semaphore(%arg9 : memref<!tpu.dma_semaphore, #tpu.memory_space<semaphore_mem>>)
    %add3A_58 = arith.constant 1 : i32
    %add3A_59 = arith.addi %mul3A_8, %add3A_58 : i32
    %mul3A_60 = arith.constant 4096 : i32
    %mul3A_61 = arith.muli %add3A_59, %mul3A_60 : i32
    %add3A_62 = arith.constant 512 : i32
    %add3A_63 = arith.addi %mul3A_61, %add3A_62 : i32
    %dma_start3A_64 = arith.constant 0 : i32
    %dma_start3A_65 = tpu.memref_slice %arg4[%add3A_63, %dma_start3A_64] : memref<524288x128xf32, #tpu.memory_space<hbm>> -> memref<512x128xf32, #tpu.memory_space<hbm>>
    %dma_start3A_66 = arith.constant 0 : i32
    %dma_start3A_67 = tpu.memref_slice %arg4[%add3A_63, %dma_start3A_66] : memref<524288x128xf32, #tpu.memory_space<hbm>> -> memref<512x128xf32, #tpu.memory_space<hbm>>
    tpu.enqueue_dma source(%arg5 : memref<512x128xf32, #tpu.memory_space<vmem>>) target(%dma_start3A_67 : memref<512x128xf32, #tpu.memory_space<hbm>>) target_semaphore(%arg9 : memref<!tpu.dma_semaphore, #tpu.memory_space<semaphore_mem>>)
    %add3A_68 = arith.constant 1 : i32
    %add3A_69 = arith.addi %mul3A_8, %add3A_68 : i32
    %mul3A_70 = arith.constant 4096 : i32
    %mul3A_71 = arith.muli %add3A_69, %mul3A_70 : i32
    %add3A_72 = arith.constant 1024 : i32
    %add3A_73 = arith.addi %mul3A_71, %add3A_72 : i32
    %dma_start3A_74 = arith.constant 0 : i32
    %dma_start3A_75 = tpu.memref_slice %arg4[%add3A_73, %dma_start3A_74] : memref<524288x128xf32, #tpu.memory_space<hbm>> -> memref<512x128xf32, #tpu.memory_space<hbm>>
    %dma_start3A_76 = arith.constant 0 : i32
    %dma_start3A_77 = tpu.memref_slice %arg4[%add3A_73, %dma_start3A_76] : memref<524288x128xf32, #tpu.memory_space<hbm>> -> memref<512x128xf32, #tpu.memory_space<hbm>>
    tpu.enqueue_dma source(%arg5 : memref<512x128xf32, #tpu.memory_space<vmem>>) target(%dma_start3A_77 : memref<512x128xf32, #tpu.memory_space<hbm>>) target_semaphore(%arg9 : memref<!tpu.dma_semaphore, #tpu.memory_space<semaphore_mem>>)
    %add3A_78 = arith.constant 1 : i32
    %add3A_79 = arith.addi %mul3A_8, %add3A_78 : i32
    %mul3A_80 = arith.constant 4096 : i32
    %mul3A_81 = arith.muli %add3A_79, %mul3A_80 : i32
    %add3A_82 = arith.constant 1536 : i32
    %add3A_83 = arith.addi %mul3A_81, %add3A_82 : i32
    %dma_start3A_84 = arith.constant 0 : i32
    %dma_start3A_85 = tpu.memref_slice %arg4[%add3A_83, %dma_start3A_84] : memref<524288x128xf32, #tpu.memory_space<hbm>> -> memref<512x128xf32, #tpu.memory_space<hbm>>
    %dma_start3A_86 = arith.constant 0 : i32
    %dma_start3A_87 = tpu.memref_slice %arg4[%add3A_83, %dma_start3A_86] : memref<524288x128xf32, #tpu.memory_space<hbm>> -> memref<512x128xf32, #tpu.memory_space<hbm>>
    tpu.enqueue_dma source(%arg5 : memref<512x128xf32, #tpu.memory_space<vmem>>) target(%dma_start3A_87 : memref<512x128xf32, #tpu.memory_space<hbm>>) target_semaphore(%arg9 : memref<!tpu.dma_semaphore, #tpu.memory_space<semaphore_mem>>)
    %add3A_88 = arith.constant 2 : i32
    %add3A_89 = arith.addi %mul3A_8, %add3A_88 : i32
    %mul3A_90 = arith.constant 4096 : i32
    %mul3A_91 = arith.muli %add3A_89, %mul3A_90 : i32
    %add3A_92 = arith.constant 0 : i32
    %add3A_93 = arith.addi %mul3A_91, %add3A_92 : i32
    %dma_start3A_94 = arith.constant 0 : i32
    %dma_start3A_95 = tpu.memref_slice %arg4[%add3A_93, %dma_start3A_94] : memref<524288x128xf32, #tpu.memory_space<hbm>> -> memref<512x128xf32, #tpu.memory_space<hbm>>
    %dma_start3A_96 = arith.constant 0 : i32
    %dma_start3A_97 = tpu.memref_slice %arg4[%add3A_93, %dma_start3A_96] : memref<524288x128xf32, #tpu.memory_space<hbm>> -> memref<512x128xf32, #tpu.memory_space<hbm>>
    tpu.enqueue_dma source(%arg5 : memref<512x128xf32, #tpu.memory_space<vmem>>) target(%dma_start3A_97 : memref<512x128xf32, #tpu.memory_space<hbm>>) target_semaphore(%arg9 : memref<!tpu.dma_semaphore, #tpu.memory_space<semaphore_mem>>)
    %add3A_98 = arith.constant 2 : i32
    %add3A_99 = arith.addi %mul3A_8, %add3A_98 : i32
    %mul3A_100 = arith.constant 4096 : i32
    %mul3A_101 = arith.muli %add3A_99, %mul3A_100 : i32
    %add3A_102 = arith.constant 512 : i32
    %add3A_103 = arith.addi %mul3A_101, %add3A_102 : i32
    %dma_start3A_104 = arith.constant 0 : i32
    %dma_start3A_105 = tpu.memref_slice %arg4[%add3A_103, %dma_start3A_104] : memref<524288x128xf32, #tpu.memory_space<hbm>> -> memref<512x128xf32, #tpu.memory_space<hbm>>
    %dma_start3A_106 = arith.constant 0 : i32
    %dma_start3A_107 = tpu.memref_slice %arg4[%add3A_103, %dma_start3A_106] : memref<524288x128xf32, #tpu.memory_space<hbm>> -> memref<512x128xf32, #tpu.memory_space<hbm>>
    tpu.enqueue_dma source(%arg5 : memref<512x128xf32, #tpu.memory_space<vmem>>) target(%dma_start3A_107 : memref<512x128xf32, #tpu.memory_space<hbm>>) target_semaphore(%arg9 : memref<!tpu.dma_semaphore, #tpu.memory_space<semaphore_mem>>)
    %add3A_108 = arith.constant 2 : i32
    %add3A_109 = arith.addi %mul3A_8, %add3A_108 : i32
    %mul3A_110 = arith.constant 4096 : i32
    %mul3A_111 = arith.muli %add3A_109, %mul3A_110 : i32
    %add3A_112 = arith.constant 1024 : i32
    %add3A_113 = arith.addi %mul3A_111, %add3A_112 : i32
    %dma_start3A_114 = arith.constant 0 : i32
    %dma_start3A_115 = tpu.memref_slice %arg4[%add3A_113, %dma_start3A_114] : memref<524288x128xf32, #tpu.memory_space<hbm>> -> memref<512x128xf32, #tpu.memory_space<hbm>>
    %dma_start3A_116 = arith.constant 0 : i32
    %dma_start3A_117 = tpu.memref_slice %arg4[%add3A_113, %dma_start3A_116] : memref<524288x128xf32, #tpu.memory_space<hbm>> -> memref<512x128xf32, #tpu.memory_space<hbm>>
    tpu.enqueue_dma source(%arg5 : memref<512x128xf32, #tpu.memory_space<vmem>>) target(%dma_start3A_117 : memref<512x128xf32, #tpu.memory_space<hbm>>) target_semaphore(%arg9 : memref<!tpu.dma_semaphore, #tpu.memory_space<semaphore_mem>>)
    %add3A_118 = arith.constant 2 : i32
    %add3A_119 = arith.addi %mul3A_8, %add3A_118 : i32
    %mul3A_120 = arith.constant 4096 : i32
    %mul3A_121 = arith.muli %add3A_119, %mul3A_120 : i32
    %add3A_122 = arith.constant 1536 : i32
    %add3A_123 = arith.addi %mul3A_121, %add3A_122 : i32
    %dma_start3A_124 = arith.constant 0 : i32
    %dma_start3A_125 = tpu.memref_slice %arg4[%add3A_123, %dma_start3A_124] : memref<524288x128xf32, #tpu.memory_space<hbm>> -> memref<512x128xf32, #tpu.memory_space<hbm>>
    %dma_start3A_126 = arith.constant 0 : i32
    %dma_start3A_127 = tpu.memref_slice %arg4[%add3A_123, %dma_start3A_126] : memref<524288x128xf32, #tpu.memory_space<hbm>> -> memref<512x128xf32, #tpu.memory_space<hbm>>
    tpu.enqueue_dma source(%arg5 : memref<512x128xf32, #tpu.memory_space<vmem>>) target(%dma_start3A_127 : memref<512x128xf32, #tpu.memory_space<hbm>>) target_semaphore(%arg9 : memref<!tpu.dma_semaphore, #tpu.memory_space<semaphore_mem>>)
    %add3A_128 = arith.constant 3 : i32
    %add3A_129 = arith.addi %mul3A_8, %add3A_128 : i32
    %mul3A_130 = arith.constant 4096 : i32
    %mul3A_131 = arith.muli %add3A_129, %mul3A_130 : i32
    %add3A_132 = arith.constant 0 : i32
    %add3A_133 = arith.addi %mul3A_131, %add3A_132 : i32
    %dma_start3A_134 = arith.constant 0 : i32
    %dma_start3A_135 = tpu.memref_slice %arg4[%add3A_133, %dma_start3A_134] : memref<524288x128xf32, #tpu.memory_space<hbm>> -> memref<512x128xf32, #tpu.memory_space<hbm>>
    %dma_start3A_136 = arith.constant 0 : i32
    %dma_start3A_137 = tpu.memref_slice %arg4[%add3A_133, %dma_start3A_136] : memref<524288x128xf32, #tpu.memory_space<hbm>> -> memref<512x128xf32, #tpu.memory_space<hbm>>
    tpu.enqueue_dma source(%arg5 : memref<512x128xf32, #tpu.memory_space<vmem>>) target(%dma_start3A_137 : memref<512x128xf32, #tpu.memory_space<hbm>>) target_semaphore(%arg9 : memref<!tpu.dma_semaphore, #tpu.memory_space<semaphore_mem>>)
    %add3A_138 = arith.constant 3 : i32
    %add3A_139 = arith.addi %mul3A_8, %add3A_138 : i32
    %mul3A_140 = arith.constant 4096 : i32
    %mul3A_141 = arith.muli %add3A_139, %mul3A_140 : i32
    %add3A_142 = arith.constant 512 : i32
    %add3A_143 = arith.addi %mul3A_141, %add3A_142 : i32
    %dma_start3A_144 = arith.constant 0 : i32
    %dma_start3A_145 = tpu.memref_slice %arg4[%add3A_143, %dma_start3A_144] : memref<524288x128xf32, #tpu.memory_space<hbm>> -> memref<512x128xf32, #tpu.memory_space<hbm>>
    %dma_start3A_146 = arith.constant 0 : i32
    %dma_start3A_147 = tpu.memref_slice %arg4[%add3A_143, %dma_start3A_146] : memref<524288x128xf32, #tpu.memory_space<hbm>> -> memref<512x128xf32, #tpu.memory_space<hbm>>
    tpu.enqueue_dma source(%arg5 : memref<512x128xf32, #tpu.memory_space<vmem>>) target(%dma_start3A_147 : memref<512x128xf32, #tpu.memory_space<hbm>>) target_semaphore(%arg9 : memref<!tpu.dma_semaphore, #tpu.memory_space<semaphore_mem>>)
    %add3A_148 = arith.constant 3 : i32
    %add3A_149 = arith.addi %mul3A_8, %add3A_148 : i32
    %mul3A_150 = arith.constant 4096 : i32
    %mul3A_151 = arith.muli %add3A_149, %mul3A_150 : i32
    %add3A_152 = arith.constant 1024 : i32
    %add3A_153 = arith.addi %mul3A_151, %add3A_152 : i32
    %dma_start3A_154 = arith.constant 0 : i32
    %dma_start3A_155 = tpu.memref_slice %arg4[%add3A_153, %dma_start3A_154] : memref<524288x128xf32, #tpu.memory_space<hbm>> -> memref<512x128xf32, #tpu.memory_space<hbm>>
    %dma_start3A_156 = arith.constant 0 : i32
    %dma_start3A_157 = tpu.memref_slice %arg4[%add3A_153, %dma_start3A_156] : memref<524288x128xf32, #tpu.memory_space<hbm>> -> memref<512x128xf32, #tpu.memory_space<hbm>>
    tpu.enqueue_dma source(%arg5 : memref<512x128xf32, #tpu.memory_space<vmem>>) target(%dma_start3A_157 : memref<512x128xf32, #tpu.memory_space<hbm>>) target_semaphore(%arg9 : memref<!tpu.dma_semaphore, #tpu.memory_space<semaphore_mem>>)
    %add3A_158 = arith.constant 3 : i32
    %add3A_159 = arith.addi %mul3A_8, %add3A_158 : i32
    %mul3A_160 = arith.constant 4096 : i32
    %mul3A_161 = arith.muli %add3A_159, %mul3A_160 : i32
    %add3A_162 = arith.constant 1536 : i32
    %add3A_163 = arith.addi %mul3A_161, %add3A_162 : i32
    %dma_start3A_164 = arith.constant 0 : i32
    %dma_start3A_165 = tpu.memref_slice %arg4[%add3A_163, %dma_start3A_164] : memref<524288x128xf32, #tpu.memory_space<hbm>> -> memref<512x128xf32, #tpu.memory_space<hbm>>
    %dma_start3A_166 = arith.constant 0 : i32
    %dma_start3A_167 = tpu.memref_slice %arg4[%add3A_163, %dma_start3A_166] : memref<524288x128xf32, #tpu.memory_space<hbm>> -> memref<512x128xf32, #tpu.memory_space<hbm>>
    tpu.enqueue_dma source(%arg5 : memref<512x128xf32, #tpu.memory_space<vmem>>) target(%dma_start3A_167 : memref<512x128xf32, #tpu.memory_space<hbm>>) target_semaphore(%arg9 : memref<!tpu.dma_semaphore, #tpu.memory_space<semaphore_mem>>)
    "tpu.region"() ({
      %run_scoped3A = tpu.sem_alloc : memref<!tpu.dma_semaphore, #tpu.memory_space<semaphore_mem>>
      tpu.enqueue_dma source(%arg2 : memref<16xi32, #tpu.memory_space<hbm>>) target(%arg7 : memref<16xi32, #tpu.memory_space<vmem>>) target_semaphore(%run_scoped3A : memref<!tpu.dma_semaphore, #tpu.memory_space<semaphore_mem>>)
      tpu.wait_dma2 semaphore(%run_scoped3A : memref<!tpu.dma_semaphore, #tpu.memory_space<semaphore_mem>>) src(%arg2 : memref<16xi32, #tpu.memory_space<hbm>>) dst(%arg7 : memref<16xi32, #tpu.memory_space<vmem>>)
      tpu.yield
    }) : () -> ()
    %mul3A_168 = arith.constant 16 : i32
    %mul3A_169 = arith.muli %mul3A_8, %mul3A_168 : i32
    "tpu.region"() ({
      %run_scoped3A = tpu.sem_alloc : memref<!tpu.dma_semaphore, #tpu.memory_space<semaphore_mem>>
      %dma_start3A_283 = arith.constant 0 : i32
      %dma_start3A_284 = tpu.memref_slice %arg3[%mul3A_169, %dma_start3A_283] : memref<2048x128xf32, #tpu.memory_space<hbm>> -> memref<64x128xf32, #tpu.memory_space<hbm>>
      %dma_start3A_285 = arith.constant 0 : i32
      %dma_start3A_286 = tpu.memref_slice %arg3[%mul3A_169, %dma_start3A_285] : memref<2048x128xf32, #tpu.memory_space<hbm>> -> memref<64x128xf32, #tpu.memory_space<hbm>>
      tpu.enqueue_dma source(%dma_start3A_286 : memref<64x128xf32, #tpu.memory_space<hbm>>) target(%arg6 : memref<64x128xf32, #tpu.memory_space<vmem>>) target_semaphore(%run_scoped3A : memref<!tpu.dma_semaphore, #tpu.memory_space<semaphore_mem>>)
      %dma_wait3A_287 = arith.constant 0 : i32
      %dma_wait3A_288 = tpu.memref_slice %arg3[%mul3A_169, %dma_wait3A_287] : memref<2048x128xf32, #tpu.memory_space<hbm>> -> memref<64x128xf32, #tpu.memory_space<hbm>>
      %dma_wait3A_289 = arith.constant 0 : i32
      %dma_wait3A_290 = tpu.memref_slice %arg3[%mul3A_169, %dma_wait3A_289] : memref<2048x128xf32, #tpu.memory_space<hbm>> -> memref<64x128xf32, #tpu.memory_space<hbm>>
      tpu.wait_dma2 semaphore(%run_scoped3A : memref<!tpu.dma_semaphore, #tpu.memory_space<semaphore_mem>>) src(%dma_wait3A_290 : memref<64x128xf32, #tpu.memory_space<hbm>>) dst(%arg6 : memref<64x128xf32, #tpu.memory_space<vmem>>)
      tpu.yield
    }) : () -> ()
    %get3A = arith.constant 0 : index
    %get3A_170 = tpu.vector_load %arg7[%get3A] {strides = array<i32>} : memref<16xi32, #tpu.memory_space<vmem>>, vector<16xi32>,
    %get3A_171 = vector.shape_cast %get3A_170 : vector<16xi32> to vector<16xi32>
    %lt3A = arith.constant 2048 : i32
    %lt3A_172 = vector.broadcast %lt3A : i32 to vector<16xi32>
    %lt3A_173 = arith.cmpi slt, %get3A_171, %lt3A_172 : vector<16xi32>
    %jit3A = arith.constant 2048 : i32
    %broadcast_in_dim3A_174 = vector.broadcast %jit3A : i32 to vector<16xi32>
    %select_n3A = arith.select %lt3A_173, %get3A_171, %broadcast_in_dim3A_174 : vector<16xi1>, vector<16xi32>
    %add3A_175 = arith.constant 0 : i32
    %add3A_176 = arith.addi %mul3A_8, %add3A_175 : i32
    %mul3A_177 = arith.constant 4096 : i32
    %mul3A_178 = arith.muli %add3A_176, %mul3A_177 : i32
    %add3A_179 = vector.broadcast %mul3A_178 : i32 to vector<16xi32>
    %add3A_180 = arith.addi %select_n3A, %add3A_179 : vector<16xi32>
    %swap3A = arith.constant 0 : index
    %swap3A_181 = tpu.vector_load %arg8[%swap3A] {strides = array<i32>} : memref<64xi32, #tpu.memory_space<vmem>>, vector<16xi32>,
    %swap3A_182 = vector.shape_cast %swap3A_181 : vector<16xi32> to vector<16xi32>
    %swap3A_183 = vector.shape_cast %add3A_180 : vector<16xi32> to vector<16xi32>
    tpu.vector_store %arg8[%swap3A], %swap3A_183 {strides = array<i32>} : memref<64xi32, #tpu.memory_space<vmem>>, vector<16xi32>,
    %add3A_184 = arith.constant 1 : i32
    %add3A_185 = arith.addi %mul3A_8, %add3A_184 : i32
    %mul3A_186 = arith.constant 4096 : i32
    %mul3A_187 = arith.muli %add3A_185, %mul3A_186 : i32
    %add3A_188 = vector.broadcast %mul3A_187 : i32 to vector<16xi32>
    %add3A_189 = arith.addi %select_n3A, %add3A_188 : vector<16xi32>
    %swap3A_190 = arith.constant 16 : index
    %swap3A_191 = tpu.vector_load %arg8[%swap3A_190] {strides = array<i32>} : memref<64xi32, #tpu.memory_space<vmem>>, vector<16xi32>,
    %swap3A_192 = vector.shape_cast %swap3A_191 : vector<16xi32> to vector<16xi32>
    %swap3A_193 = vector.shape_cast %add3A_189 : vector<16xi32> to vector<16xi32>
    tpu.vector_store %arg8[%swap3A_190], %swap3A_193 {strides = array<i32>} : memref<64xi32, #tpu.memory_space<vmem>>, vector<16xi32>,
    %add3A_194 = arith.constant 2 : i32
    %add3A_195 = arith.addi %mul3A_8, %add3A_194 : i32
    %mul3A_196 = arith.constant 4096 : i32
    %mul3A_197 = arith.muli %add3A_195, %mul3A_196 : i32
    %add3A_198 = vector.broadcast %mul3A_197 : i32 to vector<16xi32>
    %add3A_199 = arith.addi %select_n3A, %add3A_198 : vector<16xi32>
    %swap3A_200 = arith.constant 32 : index
    %swap3A_201 = tpu.vector_load %arg8[%swap3A_200] {strides = array<i32>} : memref<64xi32, #tpu.memory_space<vmem>>, vector<16xi32>,
    %swap3A_202 = vector.shape_cast %swap3A_201 : vector<16xi32> to vector<16xi32>
    %swap3A_203 = vector.shape_cast %add3A_199 : vector<16xi32> to vector<16xi32>
    tpu.vector_store %arg8[%swap3A_200], %swap3A_203 {strides = array<i32>} : memref<64xi32, #tpu.memory_space<vmem>>, vector<16xi32>,
    %add3A_204 = arith.constant 3 : i32
    %add3A_205 = arith.addi %mul3A_8, %add3A_204 : i32
    %mul3A_206 = arith.constant 4096 : i32
    %mul3A_207 = arith.muli %add3A_205, %mul3A_206 : i32
    %add3A_208 = vector.broadcast %mul3A_207 : i32 to vector<16xi32>
    %add3A_209 = arith.addi %select_n3A, %add3A_208 : vector<16xi32>
    %swap3A_210 = arith.constant 48 : index
    %swap3A_211 = tpu.vector_load %arg8[%swap3A_210] {strides = array<i32>} : memref<64xi32, #tpu.memory_space<vmem>>, vector<16xi32>,
    %swap3A_212 = vector.shape_cast %swap3A_211 : vector<16xi32> to vector<16xi32>
    %swap3A_213 = vector.shape_cast %add3A_209 : vector<16xi32> to vector<16xi32>
    tpu.vector_store %arg8[%swap3A_210], %swap3A_213 {strides = array<i32>} : memref<64xi32, #tpu.memory_space<vmem>>, vector<16xi32>,
    %dma_wait3A = arith.constant 0 : i32
    %dma_wait3A_214 = tpu.memref_slice %arg4[%add3A_14, %dma_wait3A] : memref<524288x128xf32, #tpu.memory_space<hbm>> -> memref<512x128xf32, #tpu.memory_space<hbm>>
    %dma_wait3A_215 = arith.constant 0 : i32
    %dma_wait3A_216 = tpu.memref_slice %arg4[%add3A_14, %dma_wait3A_215] : memref<524288x128xf32, #tpu.memory_space<hbm>> -> memref<512x128xf32, #tpu.memory_space<hbm>>
    tpu.wait_dma2 semaphore(%arg9 : memref<!tpu.dma_semaphore, #tpu.memory_space<semaphore_mem>>) src(%arg5 : memref<512x128xf32, #tpu.memory_space<vmem>>) dst(%dma_wait3A_216 : memref<512x128xf32, #tpu.memory_space<hbm>>)
    %dma_wait3A_217 = arith.constant 0 : i32
    %dma_wait3A_218 = tpu.memref_slice %arg4[%add3A_23, %dma_wait3A_217] : memref<524288x128xf32, #tpu.memory_space<hbm>> -> memref<512x128xf32, #tpu.memory_space<hbm>>
    %dma_wait3A_219 = arith.constant 0 : i32
    %dma_wait3A_220 = tpu.memref_slice %arg4[%add3A_23, %dma_wait3A_219] : memref<524288x128xf32, #tpu.memory_space<hbm>> -> memref<512x128xf32, #tpu.memory_space<hbm>>
    tpu.wait_dma2 semaphore(%arg9 : memref<!tpu.dma_semaphore, #tpu.memory_space<semaphore_mem>>) src(%arg5 : memref<512x128xf32, #tpu.memory_space<vmem>>) dst(%dma_wait3A_220 : memref<512x128xf32, #tpu.memory_space<hbm>>)
    %dma_wait3A_221 = arith.constant 0 : i32
    %dma_wait3A_222 = tpu.memref_slice %arg4[%add3A_33, %dma_wait3A_221] : memref<524288x128xf32, #tpu.memory_space<hbm>> -> memref<512x128xf32, #tpu.memory_space<hbm>>
    %dma_wait3A_223 = arith.constant 0 : i32
    %dma_wait3A_224 = tpu.memref_slice %arg4[%add3A_33, %dma_wait3A_223] : memref<524288x128xf32, #tpu.memory_space<hbm>> -> memref<512x128xf32, #tpu.memory_space<hbm>>
    tpu.wait_dma2 semaphore(%arg9 : memref<!tpu.dma_semaphore, #tpu.memory_space<semaphore_mem>>) src(%arg5 : memref<512x128xf32, #tpu.memory_space<vmem>>) dst(%dma_wait3A_224 : memref<512x128xf32, #tpu.memory_space<hbm>>)
    %dma_wait3A_225 = arith.constant 0 : i32
    %dma_wait3A_226 = tpu.memref_slice %arg4[%add3A_43, %dma_wait3A_225] : memref<524288x128xf32, #tpu.memory_space<hbm>> -> memref<512x128xf32, #tpu.memory_space<hbm>>
    %dma_wait3A_227 = arith.constant 0 : i32
    %dma_wait3A_228 = tpu.memref_slice %arg4[%add3A_43, %dma_wait3A_227] : memref<524288x128xf32, #tpu.memory_space<hbm>> -> memref<512x128xf32, #tpu.memory_space<hbm>>
    tpu.wait_dma2 semaphore(%arg9 : memref<!tpu.dma_semaphore, #tpu.memory_space<semaphore_mem>>) src(%arg5 : memref<512x128xf32, #tpu.memory_space<vmem>>) dst(%dma_wait3A_228 : memref<512x128xf32, #tpu.memory_space<hbm>>)
    %dma_wait3A_229 = arith.constant 0 : i32
    %dma_wait3A_230 = tpu.memref_slice %arg4[%add3A_53, %dma_wait3A_229] : memref<524288x128xf32, #tpu.memory_space<hbm>> -> memref<512x128xf32, #tpu.memory_space<hbm>>
    %dma_wait3A_231 = arith.constant 0 : i32
    %dma_wait3A_232 = tpu.memref_slice %arg4[%add3A_53, %dma_wait3A_231] : memref<524288x128xf32, #tpu.memory_space<hbm>> -> memref<512x128xf32, #tpu.memory_space<hbm>>
    tpu.wait_dma2 semaphore(%arg9 : memref<!tpu.dma_semaphore, #tpu.memory_space<semaphore_mem>>) src(%arg5 : memref<512x128xf32, #tpu.memory_space<vmem>>) dst(%dma_wait3A_232 : memref<512x128xf32, #tpu.memory_space<hbm>>)
    %dma_wait3A_233 = arith.constant 0 : i32
    %dma_wait3A_234 = tpu.memref_slice %arg4[%add3A_63, %dma_wait3A_233] : memref<524288x128xf32, #tpu.memory_space<hbm>> -> memref<512x128xf32, #tpu.memory_space<hbm>>
    %dma_wait3A_235 = arith.constant 0 : i32
    %dma_wait3A_236 = tpu.memref_slice %arg4[%add3A_63, %dma_wait3A_235] : memref<524288x128xf32, #tpu.memory_space<hbm>> -> memref<512x128xf32, #tpu.memory_space<hbm>>
    tpu.wait_dma2 semaphore(%arg9 : memref<!tpu.dma_semaphore, #tpu.memory_space<semaphore_mem>>) src(%arg5 : memref<512x128xf32, #tpu.memory_space<vmem>>) dst(%dma_wait3A_236 : memref<512x128xf32, #tpu.memory_space<hbm>>)
    %dma_wait3A_237 = arith.constant 0 : i32
    %dma_wait3A_238 = tpu.memref_slice %arg4[%add3A_73, %dma_wait3A_237] : memref<524288x128xf32, #tpu.memory_space<hbm>> -> memref<512x128xf32, #tpu.memory_space<hbm>>
    %dma_wait3A_239 = arith.constant 0 : i32
    %dma_wait3A_240 = tpu.memref_slice %arg4[%add3A_73, %dma_wait3A_239] : memref<524288x128xf32, #tpu.memory_space<hbm>> -> memref<512x128xf32, #tpu.memory_space<hbm>>
    tpu.wait_dma2 semaphore(%arg9 : memref<!tpu.dma_semaphore, #tpu.memory_space<semaphore_mem>>) src(%arg5 : memref<512x128xf32, #tpu.memory_space<vmem>>) dst(%dma_wait3A_240 : memref<512x128xf32, #tpu.memory_space<hbm>>)
    %dma_wait3A_241 = arith.constant 0 : i32
    %dma_wait3A_242 = tpu.memref_slice %arg4[%add3A_83, %dma_wait3A_241] : memref<524288x128xf32, #tpu.memory_space<hbm>> -> memref<512x128xf32, #tpu.memory_space<hbm>>
    %dma_wait3A_243 = arith.constant 0 : i32
    %dma_wait3A_244 = tpu.memref_slice %arg4[%add3A_83, %dma_wait3A_243] : memref<524288x128xf32, #tpu.memory_space<hbm>> -> memref<512x128xf32, #tpu.memory_space<hbm>>
    tpu.wait_dma2 semaphore(%arg9 : memref<!tpu.dma_semaphore, #tpu.memory_space<semaphore_mem>>) src(%arg5 : memref<512x128xf32, #tpu.memory_space<vmem>>) dst(%dma_wait3A_244 : memref<512x128xf32, #tpu.memory_space<hbm>>)
    %dma_wait3A_245 = arith.constant 0 : i32
    %dma_wait3A_246 = tpu.memref_slice %arg4[%add3A_93, %dma_wait3A_245] : memref<524288x128xf32, #tpu.memory_space<hbm>> -> memref<512x128xf32, #tpu.memory_space<hbm>>
    %dma_wait3A_247 = arith.constant 0 : i32
    %dma_wait3A_248 = tpu.memref_slice %arg4[%add3A_93, %dma_wait3A_247] : memref<524288x128xf32, #tpu.memory_space<hbm>> -> memref<512x128xf32, #tpu.memory_space<hbm>>
    tpu.wait_dma2 semaphore(%arg9 : memref<!tpu.dma_semaphore, #tpu.memory_space<semaphore_mem>>) src(%arg5 : memref<512x128xf32, #tpu.memory_space<vmem>>) dst(%dma_wait3A_248 : memref<512x128xf32, #tpu.memory_space<hbm>>)
    %dma_wait3A_249 = arith.constant 0 : i32
    %dma_wait3A_250 = tpu.memref_slice %arg4[%add3A_103, %dma_wait3A_249] : memref<524288x128xf32, #tpu.memory_space<hbm>> -> memref<512x128xf32, #tpu.memory_space<hbm>>
    %dma_wait3A_251 = arith.constant 0 : i32
    %dma_wait3A_252 = tpu.memref_slice %arg4[%add3A_103, %dma_wait3A_251] : memref<524288x128xf32, #tpu.memory_space<hbm>> -> memref<512x128xf32, #tpu.memory_space<hbm>>
    tpu.wait_dma2 semaphore(%arg9 : memref<!tpu.dma_semaphore, #tpu.memory_space<semaphore_mem>>) src(%arg5 : memref<512x128xf32, #tpu.memory_space<vmem>>) dst(%dma_wait3A_252 : memref<512x128xf32, #tpu.memory_space<hbm>>)
    %dma_wait3A_253 = arith.constant 0 : i32
    %dma_wait3A_254 = tpu.memref_slice %arg4[%add3A_113, %dma_wait3A_253] : memref<524288x128xf32, #tpu.memory_space<hbm>> -> memref<512x128xf32, #tpu.memory_space<hbm>>
    %dma_wait3A_255 = arith.constant 0 : i32
    %dma_wait3A_256 = tpu.memref_slice %arg4[%add3A_113, %dma_wait3A_255] : memref<524288x128xf32, #tpu.memory_space<hbm>> -> memref<512x128xf32, #tpu.memory_space<hbm>>
    tpu.wait_dma2 semaphore(%arg9 : memref<!tpu.dma_semaphore, #tpu.memory_space<semaphore_mem>>) src(%arg5 : memref<512x128xf32, #tpu.memory_space<vmem>>) dst(%dma_wait3A_256 : memref<512x128xf32, #tpu.memory_space<hbm>>)
    %dma_wait3A_257 = arith.constant 0 : i32
    %dma_wait3A_258 = tpu.memref_slice %arg4[%add3A_123, %dma_wait3A_257] : memref<524288x128xf32, #tpu.memory_space<hbm>> -> memref<512x128xf32, #tpu.memory_space<hbm>>
    %dma_wait3A_259 = arith.constant 0 : i32
    %dma_wait3A_260 = tpu.memref_slice %arg4[%add3A_123, %dma_wait3A_259] : memref<524288x128xf32, #tpu.memory_space<hbm>> -> memref<512x128xf32, #tpu.memory_space<hbm>>
    tpu.wait_dma2 semaphore(%arg9 : memref<!tpu.dma_semaphore, #tpu.memory_space<semaphore_mem>>) src(%arg5 : memref<512x128xf32, #tpu.memory_space<vmem>>) dst(%dma_wait3A_260 : memref<512x128xf32, #tpu.memory_space<hbm>>)
    %dma_wait3A_261 = arith.constant 0 : i32
    %dma_wait3A_262 = tpu.memref_slice %arg4[%add3A_133, %dma_wait3A_261] : memref<524288x128xf32, #tpu.memory_space<hbm>> -> memref<512x128xf32, #tpu.memory_space<hbm>>
    %dma_wait3A_263 = arith.constant 0 : i32
    %dma_wait3A_264 = tpu.memref_slice %arg4[%add3A_133, %dma_wait3A_263] : memref<524288x128xf32, #tpu.memory_space<hbm>> -> memref<512x128xf32, #tpu.memory_space<hbm>>
    tpu.wait_dma2 semaphore(%arg9 : memref<!tpu.dma_semaphore, #tpu.memory_space<semaphore_mem>>) src(%arg5 : memref<512x128xf32, #tpu.memory_space<vmem>>) dst(%dma_wait3A_264 : memref<512x128xf32, #tpu.memory_space<hbm>>)
    %dma_wait3A_265 = arith.constant 0 : i32
    %dma_wait3A_266 = tpu.memref_slice %arg4[%add3A_143, %dma_wait3A_265] : memref<524288x128xf32, #tpu.memory_space<hbm>> -> memref<512x128xf32, #tpu.memory_space<hbm>>
    %dma_wait3A_267 = arith.constant 0 : i32
    %dma_wait3A_268 = tpu.memref_slice %arg4[%add3A_143, %dma_wait3A_267] : memref<524288x128xf32, #tpu.memory_space<hbm>> -> memref<512x128xf32, #tpu.memory_space<hbm>>
    tpu.wait_dma2 semaphore(%arg9 : memref<!tpu.dma_semaphore, #tpu.memory_space<semaphore_mem>>) src(%arg5 : memref<512x128xf32, #tpu.memory_space<vmem>>) dst(%dma_wait3A_268 : memref<512x128xf32, #tpu.memory_space<hbm>>)
    %dma_wait3A_269 = arith.constant 0 : i32
    %dma_wait3A_270 = tpu.memref_slice %arg4[%add3A_153, %dma_wait3A_269] : memref<524288x128xf32, #tpu.memory_space<hbm>> -> memref<512x128xf32, #tpu.memory_space<hbm>>
    %dma_wait3A_271 = arith.constant 0 : i32
    %dma_wait3A_272 = tpu.memref_slice %arg4[%add3A_153, %dma_wait3A_271] : memref<524288x128xf32, #tpu.memory_space<hbm>> -> memref<512x128xf32, #tpu.memory_space<hbm>>
    tpu.wait_dma2 semaphore(%arg9 : memref<!tpu.dma_semaphore, #tpu.memory_space<semaphore_mem>>) src(%arg5 : memref<512x128xf32, #tpu.memory_space<vmem>>) dst(%dma_wait3A_272 : memref<512x128xf32, #tpu.memory_space<hbm>>)
    %dma_wait3A_273 = arith.constant 0 : i32
    %dma_wait3A_274 = tpu.memref_slice %arg4[%add3A_163, %dma_wait3A_273] : memref<524288x128xf32, #tpu.memory_space<hbm>> -> memref<512x128xf32, #tpu.memory_space<hbm>>
    %dma_wait3A_275 = arith.constant 0 : i32
    %dma_wait3A_276 = tpu.memref_slice %arg4[%add3A_163, %dma_wait3A_275] : memref<524288x128xf32, #tpu.memory_space<hbm>> -> memref<512x128xf32, #tpu.memory_space<hbm>>
    tpu.wait_dma2 semaphore(%arg9 : memref<!tpu.dma_semaphore, #tpu.memory_space<semaphore_mem>>) src(%arg5 : memref<512x128xf32, #tpu.memory_space<vmem>>) dst(%dma_wait3A_276 : memref<512x128xf32, #tpu.memory_space<hbm>>)
    %dma_start3A_277 = arith.constant 0 : i32
    %dma_start3A_278 = arith.constant 0 : i32
    %dma_start3A_279 = tpu.memref_slice %arg4[%dma_start3A_277, %dma_start3A_278] : memref<524288x128xf32, #tpu.memory_space<hbm>> -> memref<524288x128xf32, #tpu.memory_space<hbm>>
    tpu.enqueue_indirect_dma source(%arg6 : memref<64x128xf32, #tpu.memory_space<vmem>>) target(%dma_start3A_279 : memref<524288x128xf32, #tpu.memory_space<hbm>>) offsets(%arg8 : memref<64xi32, #tpu.memory_space<vmem>>) semaphore(%arg10 : memref<!tpu.dma_semaphore, #tpu.memory_space<semaphore_mem>>)
    %dma_wait3A_280 = arith.constant 0 : i32
    %dma_wait3A_281 = arith.constant 0 : i32
    %dma_wait3A_282 = tpu.memref_slice %arg4[%dma_wait3A_280, %dma_wait3A_281] : memref<524288x128xf32, #tpu.memory_space<hbm>> -> memref<524288x128xf32, #tpu.memory_space<hbm>>
    tpu.wait_indirect_dma semaphore(%arg10 : memref<!tpu.dma_semaphore, #tpu.memory_space<semaphore_mem>>) src(%arg6 : memref<64x128xf32, #tpu.memory_space<vmem>>) dst(%dma_wait3A_282 : memref<524288x128xf32, #tpu.memory_space<hbm>>)
    return
  }
}

module attributes {stable_mosaic.version = 14 : i64} {
  func.func @_tc_full_body(%arg0: i32, %arg1: memref<16xi32, #tpu.memory_space<smem>>, %arg2: memref<2x16x128xf32, #tpu.memory_space<vmem>>, %arg3: memref<2x4096x128xf32, #tpu.memory_space<vmem>>) attributes {dimension_semantics = [#tpu.dimension_semantics<parallel>], iteration_bounds = array<i64: 64>, scalar_prefetch = 1 : i64, scratch_operands = 0 : i64, tpu.core_type = #tpu.core_type<tc>, window_params = [{transform_indices = @transform_0, window_bounds = array<i64: 2, 16, 128>}, {transform_indices = @transform_1, window_bounds = array<i64: 2, 4096, 128>}]} {
    %broadcast_in_dim3A = arith.constant 0.000000e+00 : f32
    %broadcast_in_dim3A_0 = vector.broadcast %broadcast_in_dim3A : f32 to vector<2x4096x128xf32>
    %swap3A = arith.constant 0 : index
    %swap3A_1 = arith.constant 0 : index
    %swap3A_2 = arith.constant 0 : index
    %swap3A_3 = vector.load %arg3[%swap3A, %swap3A_1, %swap3A_2] : memref<2x4096x128xf32, #tpu.memory_space<vmem>>, vector<2x4096x128xf32>
    tpu.vector_store %arg3[%swap3A, %swap3A_1, %swap3A_2], %broadcast_in_dim3A_0 {strides = array<i32>} : memref<2x4096x128xf32, #tpu.memory_space<vmem>>, vector<2x4096x128xf32>,
    %get3A = arith.constant 0 : index
    %get3A_4 = memref.load %arg1[%get3A] : memref<16xi32, #tpu.memory_space<smem>>
    %get3A_5 = arith.constant 0 : index
    %get3A_6 = arith.constant 0 : index
    %get3A_7 = arith.constant 0 : index
    %get3A_8 = vector.load %arg2[%get3A_5, %get3A_6, %get3A_7] : memref<2x16x128xf32, #tpu.memory_space<vmem>>, vector<1x1x128xf32>
    %get3A_9 = vector.shape_cast %get3A_8 : vector<1x1x128xf32> to vector<1x128xf32>
    %swap3A_10 = arith.constant 0 : index
    %swap3A_11 = arith.index_cast %get3A_4 : i32 to index
    %swap3A_12 = arith.constant 0 : index
    %swap3A_13 = vector.load %arg3[%swap3A_10, %swap3A_11, %swap3A_12] : memref<2x4096x128xf32, #tpu.memory_space<vmem>>, vector<1x1x128xf32>
    %swap3A_14 = vector.shape_cast %swap3A_13 : vector<1x1x128xf32> to vector<1x128xf32>
    %swap3A_15 = vector.shape_cast %get3A_9 : vector<1x128xf32> to vector<1x1x128xf32>
    tpu.vector_store %arg3[%swap3A_10, %swap3A_11, %swap3A_12], %swap3A_15 {strides = array<i32>} : memref<2x4096x128xf32, #tpu.memory_space<vmem>>, vector<1x1x128xf32>,
    %get3A_16 = arith.constant 1 : index
    %get3A_17 = memref.load %arg1[%get3A_16] : memref<16xi32, #tpu.memory_space<smem>>
    %get3A_18 = arith.constant 0 : index
    %get3A_19 = arith.constant 1 : index
    %get3A_20 = arith.constant 0 : index
    %get3A_21 = vector.load %arg2[%get3A_18, %get3A_19, %get3A_20] : memref<2x16x128xf32, #tpu.memory_space<vmem>>, vector<1x1x128xf32>
    %get3A_22 = vector.shape_cast %get3A_21 : vector<1x1x128xf32> to vector<1x128xf32>
    %swap3A_23 = arith.constant 0 : index
    %swap3A_24 = arith.index_cast %get3A_17 : i32 to index
    %swap3A_25 = arith.constant 0 : index
    %swap3A_26 = vector.load %arg3[%swap3A_23, %swap3A_24, %swap3A_25] : memref<2x4096x128xf32, #tpu.memory_space<vmem>>, vector<1x1x128xf32>
    %swap3A_27 = vector.shape_cast %swap3A_26 : vector<1x1x128xf32> to vector<1x128xf32>
    %swap3A_28 = vector.shape_cast %get3A_22 : vector<1x128xf32> to vector<1x1x128xf32>
    tpu.vector_store %arg3[%swap3A_23, %swap3A_24, %swap3A_25], %swap3A_28 {strides = array<i32>} : memref<2x4096x128xf32, #tpu.memory_space<vmem>>, vector<1x1x128xf32>,
    %get3A_29 = arith.constant 2 : index
    %get3A_30 = memref.load %arg1[%get3A_29] : memref<16xi32, #tpu.memory_space<smem>>
    %get3A_31 = arith.constant 0 : index
    %get3A_32 = arith.constant 2 : index
    %get3A_33 = arith.constant 0 : index
    %get3A_34 = vector.load %arg2[%get3A_31, %get3A_32, %get3A_33] : memref<2x16x128xf32, #tpu.memory_space<vmem>>, vector<1x1x128xf32>
    %get3A_35 = vector.shape_cast %get3A_34 : vector<1x1x128xf32> to vector<1x128xf32>
    %swap3A_36 = arith.constant 0 : index
    %swap3A_37 = arith.index_cast %get3A_30 : i32 to index
    %swap3A_38 = arith.constant 0 : index
    %swap3A_39 = vector.load %arg3[%swap3A_36, %swap3A_37, %swap3A_38] : memref<2x4096x128xf32, #tpu.memory_space<vmem>>, vector<1x1x128xf32>
    %swap3A_40 = vector.shape_cast %swap3A_39 : vector<1x1x128xf32> to vector<1x128xf32>
    %swap3A_41 = vector.shape_cast %get3A_35 : vector<1x128xf32> to vector<1x1x128xf32>
    tpu.vector_store %arg3[%swap3A_36, %swap3A_37, %swap3A_38], %swap3A_41 {strides = array<i32>} : memref<2x4096x128xf32, #tpu.memory_space<vmem>>, vector<1x1x128xf32>,
    %get3A_42 = arith.constant 3 : index
    %get3A_43 = memref.load %arg1[%get3A_42] : memref<16xi32, #tpu.memory_space<smem>>
    %get3A_44 = arith.constant 0 : index
    %get3A_45 = arith.constant 3 : index
    %get3A_46 = arith.constant 0 : index
    %get3A_47 = vector.load %arg2[%get3A_44, %get3A_45, %get3A_46] : memref<2x16x128xf32, #tpu.memory_space<vmem>>, vector<1x1x128xf32>
    %get3A_48 = vector.shape_cast %get3A_47 : vector<1x1x128xf32> to vector<1x128xf32>
    %swap3A_49 = arith.constant 0 : index
    %swap3A_50 = arith.index_cast %get3A_43 : i32 to index
    %swap3A_51 = arith.constant 0 : index
    %swap3A_52 = vector.load %arg3[%swap3A_49, %swap3A_50, %swap3A_51] : memref<2x4096x128xf32, #tpu.memory_space<vmem>>, vector<1x1x128xf32>
    %swap3A_53 = vector.shape_cast %swap3A_52 : vector<1x1x128xf32> to vector<1x128xf32>
    %swap3A_54 = vector.shape_cast %get3A_48 : vector<1x128xf32> to vector<1x1x128xf32>
    tpu.vector_store %arg3[%swap3A_49, %swap3A_50, %swap3A_51], %swap3A_54 {strides = array<i32>} : memref<2x4096x128xf32, #tpu.memory_space<vmem>>, vector<1x1x128xf32>,
    %get3A_55 = arith.constant 4 : index
    %get3A_56 = memref.load %arg1[%get3A_55] : memref<16xi32, #tpu.memory_space<smem>>
    %get3A_57 = arith.constant 0 : index
    %get3A_58 = arith.constant 4 : index
    %get3A_59 = arith.constant 0 : index
    %get3A_60 = vector.load %arg2[%get3A_57, %get3A_58, %get3A_59] : memref<2x16x128xf32, #tpu.memory_space<vmem>>, vector<1x1x128xf32>
    %get3A_61 = vector.shape_cast %get3A_60 : vector<1x1x128xf32> to vector<1x128xf32>
    %swap3A_62 = arith.constant 0 : index
    %swap3A_63 = arith.index_cast %get3A_56 : i32 to index
    %swap3A_64 = arith.constant 0 : index
    %swap3A_65 = vector.load %arg3[%swap3A_62, %swap3A_63, %swap3A_64] : memref<2x4096x128xf32, #tpu.memory_space<vmem>>, vector<1x1x128xf32>
    %swap3A_66 = vector.shape_cast %swap3A_65 : vector<1x1x128xf32> to vector<1x128xf32>
    %swap3A_67 = vector.shape_cast %get3A_61 : vector<1x128xf32> to vector<1x1x128xf32>
    tpu.vector_store %arg3[%swap3A_62, %swap3A_63, %swap3A_64], %swap3A_67 {strides = array<i32>} : memref<2x4096x128xf32, #tpu.memory_space<vmem>>, vector<1x1x128xf32>,
    %get3A_68 = arith.constant 5 : index
    %get3A_69 = memref.load %arg1[%get3A_68] : memref<16xi32, #tpu.memory_space<smem>>
    %get3A_70 = arith.constant 0 : index
    %get3A_71 = arith.constant 5 : index
    %get3A_72 = arith.constant 0 : index
    %get3A_73 = vector.load %arg2[%get3A_70, %get3A_71, %get3A_72] : memref<2x16x128xf32, #tpu.memory_space<vmem>>, vector<1x1x128xf32>
    %get3A_74 = vector.shape_cast %get3A_73 : vector<1x1x128xf32> to vector<1x128xf32>
    %swap3A_75 = arith.constant 0 : index
    %swap3A_76 = arith.index_cast %get3A_69 : i32 to index
    %swap3A_77 = arith.constant 0 : index
    %swap3A_78 = vector.load %arg3[%swap3A_75, %swap3A_76, %swap3A_77] : memref<2x4096x128xf32, #tpu.memory_space<vmem>>, vector<1x1x128xf32>
    %swap3A_79 = vector.shape_cast %swap3A_78 : vector<1x1x128xf32> to vector<1x128xf32>
    %swap3A_80 = vector.shape_cast %get3A_74 : vector<1x128xf32> to vector<1x1x128xf32>
    tpu.vector_store %arg3[%swap3A_75, %swap3A_76, %swap3A_77], %swap3A_80 {strides = array<i32>} : memref<2x4096x128xf32, #tpu.memory_space<vmem>>, vector<1x1x128xf32>,
    %get3A_81 = arith.constant 6 : index
    %get3A_82 = memref.load %arg1[%get3A_81] : memref<16xi32, #tpu.memory_space<smem>>
    %get3A_83 = arith.constant 0 : index
    %get3A_84 = arith.constant 6 : index
    %get3A_85 = arith.constant 0 : index
    %get3A_86 = vector.load %arg2[%get3A_83, %get3A_84, %get3A_85] : memref<2x16x128xf32, #tpu.memory_space<vmem>>, vector<1x1x128xf32>
    %get3A_87 = vector.shape_cast %get3A_86 : vector<1x1x128xf32> to vector<1x128xf32>
    %swap3A_88 = arith.constant 0 : index
    %swap3A_89 = arith.index_cast %get3A_82 : i32 to index
    %swap3A_90 = arith.constant 0 : index
    %swap3A_91 = vector.load %arg3[%swap3A_88, %swap3A_89, %swap3A_90] : memref<2x4096x128xf32, #tpu.memory_space<vmem>>, vector<1x1x128xf32>
    %swap3A_92 = vector.shape_cast %swap3A_91 : vector<1x1x128xf32> to vector<1x128xf32>
    %swap3A_93 = vector.shape_cast %get3A_87 : vector<1x128xf32> to vector<1x1x128xf32>
    tpu.vector_store %arg3[%swap3A_88, %swap3A_89, %swap3A_90], %swap3A_93 {strides = array<i32>} : memref<2x4096x128xf32, #tpu.memory_space<vmem>>, vector<1x1x128xf32>,
    %get3A_94 = arith.constant 7 : index
    %get3A_95 = memref.load %arg1[%get3A_94] : memref<16xi32, #tpu.memory_space<smem>>
    %get3A_96 = arith.constant 0 : index
    %get3A_97 = arith.constant 7 : index
    %get3A_98 = arith.constant 0 : index
    %get3A_99 = vector.load %arg2[%get3A_96, %get3A_97, %get3A_98] : memref<2x16x128xf32, #tpu.memory_space<vmem>>, vector<1x1x128xf32>
    %get3A_100 = vector.shape_cast %get3A_99 : vector<1x1x128xf32> to vector<1x128xf32>
    %swap3A_101 = arith.constant 0 : index
    %swap3A_102 = arith.index_cast %get3A_95 : i32 to index
    %swap3A_103 = arith.constant 0 : index
    %swap3A_104 = vector.load %arg3[%swap3A_101, %swap3A_102, %swap3A_103] : memref<2x4096x128xf32, #tpu.memory_space<vmem>>, vector<1x1x128xf32>
    %swap3A_105 = vector.shape_cast %swap3A_104 : vector<1x1x128xf32> to vector<1x128xf32>
    %swap3A_106 = vector.shape_cast %get3A_100 : vector<1x128xf32> to vector<1x1x128xf32>
    tpu.vector_store %arg3[%swap3A_101, %swap3A_102, %swap3A_103], %swap3A_106 {strides = array<i32>} : memref<2x4096x128xf32, #tpu.memory_space<vmem>>, vector<1x1x128xf32>,
    %get3A_107 = arith.constant 8 : index
    %get3A_108 = memref.load %arg1[%get3A_107] : memref<16xi32, #tpu.memory_space<smem>>
    %get3A_109 = arith.constant 0 : index
    %get3A_110 = arith.constant 8 : index
    %get3A_111 = arith.constant 0 : index
    %get3A_112 = vector.load %arg2[%get3A_109, %get3A_110, %get3A_111] : memref<2x16x128xf32, #tpu.memory_space<vmem>>, vector<1x1x128xf32>
    %get3A_113 = vector.shape_cast %get3A_112 : vector<1x1x128xf32> to vector<1x128xf32>
    %swap3A_114 = arith.constant 0 : index
    %swap3A_115 = arith.index_cast %get3A_108 : i32 to index
    %swap3A_116 = arith.constant 0 : index
    %swap3A_117 = vector.load %arg3[%swap3A_114, %swap3A_115, %swap3A_116] : memref<2x4096x128xf32, #tpu.memory_space<vmem>>, vector<1x1x128xf32>
    %swap3A_118 = vector.shape_cast %swap3A_117 : vector<1x1x128xf32> to vector<1x128xf32>
    %swap3A_119 = vector.shape_cast %get3A_113 : vector<1x128xf32> to vector<1x1x128xf32>
    tpu.vector_store %arg3[%swap3A_114, %swap3A_115, %swap3A_116], %swap3A_119 {strides = array<i32>} : memref<2x4096x128xf32, #tpu.memory_space<vmem>>, vector<1x1x128xf32>,
    %get3A_120 = arith.constant 9 : index
    %get3A_121 = memref.load %arg1[%get3A_120] : memref<16xi32, #tpu.memory_space<smem>>
    %get3A_122 = arith.constant 0 : index
    %get3A_123 = arith.constant 9 : index
    %get3A_124 = arith.constant 0 : index
    %get3A_125 = vector.load %arg2[%get3A_122, %get3A_123, %get3A_124] : memref<2x16x128xf32, #tpu.memory_space<vmem>>, vector<1x1x128xf32>
    %get3A_126 = vector.shape_cast %get3A_125 : vector<1x1x128xf32> to vector<1x128xf32>
    %swap3A_127 = arith.constant 0 : index
    %swap3A_128 = arith.index_cast %get3A_121 : i32 to index
    %swap3A_129 = arith.constant 0 : index
    %swap3A_130 = vector.load %arg3[%swap3A_127, %swap3A_128, %swap3A_129] : memref<2x4096x128xf32, #tpu.memory_space<vmem>>, vector<1x1x128xf32>
    %swap3A_131 = vector.shape_cast %swap3A_130 : vector<1x1x128xf32> to vector<1x128xf32>
    %swap3A_132 = vector.shape_cast %get3A_126 : vector<1x128xf32> to vector<1x1x128xf32>
    tpu.vector_store %arg3[%swap3A_127, %swap3A_128, %swap3A_129], %swap3A_132 {strides = array<i32>} : memref<2x4096x128xf32, #tpu.memory_space<vmem>>, vector<1x1x128xf32>,
    %get3A_133 = arith.constant 10 : index
    %get3A_134 = memref.load %arg1[%get3A_133] : memref<16xi32, #tpu.memory_space<smem>>
    %get3A_135 = arith.constant 0 : index
    %get3A_136 = arith.constant 10 : index
    %get3A_137 = arith.constant 0 : index
    %get3A_138 = vector.load %arg2[%get3A_135, %get3A_136, %get3A_137] : memref<2x16x128xf32, #tpu.memory_space<vmem>>, vector<1x1x128xf32>
    %get3A_139 = vector.shape_cast %get3A_138 : vector<1x1x128xf32> to vector<1x128xf32>
    %swap3A_140 = arith.constant 0 : index
    %swap3A_141 = arith.index_cast %get3A_134 : i32 to index
    %swap3A_142 = arith.constant 0 : index
    %swap3A_143 = vector.load %arg3[%swap3A_140, %swap3A_141, %swap3A_142] : memref<2x4096x128xf32, #tpu.memory_space<vmem>>, vector<1x1x128xf32>
    %swap3A_144 = vector.shape_cast %swap3A_143 : vector<1x1x128xf32> to vector<1x128xf32>
    %swap3A_145 = vector.shape_cast %get3A_139 : vector<1x128xf32> to vector<1x1x128xf32>
    tpu.vector_store %arg3[%swap3A_140, %swap3A_141, %swap3A_142], %swap3A_145 {strides = array<i32>} : memref<2x4096x128xf32, #tpu.memory_space<vmem>>, vector<1x1x128xf32>,
    %get3A_146 = arith.constant 11 : index
    %get3A_147 = memref.load %arg1[%get3A_146] : memref<16xi32, #tpu.memory_space<smem>>
    %get3A_148 = arith.constant 0 : index
    %get3A_149 = arith.constant 11 : index
    %get3A_150 = arith.constant 0 : index
    %get3A_151 = vector.load %arg2[%get3A_148, %get3A_149, %get3A_150] : memref<2x16x128xf32, #tpu.memory_space<vmem>>, vector<1x1x128xf32>
    %get3A_152 = vector.shape_cast %get3A_151 : vector<1x1x128xf32> to vector<1x128xf32>
    %swap3A_153 = arith.constant 0 : index
    %swap3A_154 = arith.index_cast %get3A_147 : i32 to index
    %swap3A_155 = arith.constant 0 : index
    %swap3A_156 = vector.load %arg3[%swap3A_153, %swap3A_154, %swap3A_155] : memref<2x4096x128xf32, #tpu.memory_space<vmem>>, vector<1x1x128xf32>
    %swap3A_157 = vector.shape_cast %swap3A_156 : vector<1x1x128xf32> to vector<1x128xf32>
    %swap3A_158 = vector.shape_cast %get3A_152 : vector<1x128xf32> to vector<1x1x128xf32>
    tpu.vector_store %arg3[%swap3A_153, %swap3A_154, %swap3A_155], %swap3A_158 {strides = array<i32>} : memref<2x4096x128xf32, #tpu.memory_space<vmem>>, vector<1x1x128xf32>,
    %get3A_159 = arith.constant 12 : index
    %get3A_160 = memref.load %arg1[%get3A_159] : memref<16xi32, #tpu.memory_space<smem>>
    %get3A_161 = arith.constant 0 : index
    %get3A_162 = arith.constant 12 : index
    %get3A_163 = arith.constant 0 : index
    %get3A_164 = vector.load %arg2[%get3A_161, %get3A_162, %get3A_163] : memref<2x16x128xf32, #tpu.memory_space<vmem>>, vector<1x1x128xf32>
    %get3A_165 = vector.shape_cast %get3A_164 : vector<1x1x128xf32> to vector<1x128xf32>
    %swap3A_166 = arith.constant 0 : index
    %swap3A_167 = arith.index_cast %get3A_160 : i32 to index
    %swap3A_168 = arith.constant 0 : index
    %swap3A_169 = vector.load %arg3[%swap3A_166, %swap3A_167, %swap3A_168] : memref<2x4096x128xf32, #tpu.memory_space<vmem>>, vector<1x1x128xf32>
    %swap3A_170 = vector.shape_cast %swap3A_169 : vector<1x1x128xf32> to vector<1x128xf32>
    %swap3A_171 = vector.shape_cast %get3A_165 : vector<1x128xf32> to vector<1x1x128xf32>
    tpu.vector_store %arg3[%swap3A_166, %swap3A_167, %swap3A_168], %swap3A_171 {strides = array<i32>} : memref<2x4096x128xf32, #tpu.memory_space<vmem>>, vector<1x1x128xf32>,
    %get3A_172 = arith.constant 13 : index
    %get3A_173 = memref.load %arg1[%get3A_172] : memref<16xi32, #tpu.memory_space<smem>>
    %get3A_174 = arith.constant 0 : index
    %get3A_175 = arith.constant 13 : index
    %get3A_176 = arith.constant 0 : index
    %get3A_177 = vector.load %arg2[%get3A_174, %get3A_175, %get3A_176] : memref<2x16x128xf32, #tpu.memory_space<vmem>>, vector<1x1x128xf32>
    %get3A_178 = vector.shape_cast %get3A_177 : vector<1x1x128xf32> to vector<1x128xf32>
    %swap3A_179 = arith.constant 0 : index
    %swap3A_180 = arith.index_cast %get3A_173 : i32 to index
    %swap3A_181 = arith.constant 0 : index
    %swap3A_182 = vector.load %arg3[%swap3A_179, %swap3A_180, %swap3A_181] : memref<2x4096x128xf32, #tpu.memory_space<vmem>>, vector<1x1x128xf32>
    %swap3A_183 = vector.shape_cast %swap3A_182 : vector<1x1x128xf32> to vector<1x128xf32>
    %swap3A_184 = vector.shape_cast %get3A_178 : vector<1x128xf32> to vector<1x1x128xf32>
    tpu.vector_store %arg3[%swap3A_179, %swap3A_180, %swap3A_181], %swap3A_184 {strides = array<i32>} : memref<2x4096x128xf32, #tpu.memory_space<vmem>>, vector<1x1x128xf32>,
    %get3A_185 = arith.constant 14 : index
    %get3A_186 = memref.load %arg1[%get3A_185] : memref<16xi32, #tpu.memory_space<smem>>
    %get3A_187 = arith.constant 0 : index
    %get3A_188 = arith.constant 14 : index
    %get3A_189 = arith.constant 0 : index
    %get3A_190 = vector.load %arg2[%get3A_187, %get3A_188, %get3A_189] : memref<2x16x128xf32, #tpu.memory_space<vmem>>, vector<1x1x128xf32>
    %get3A_191 = vector.shape_cast %get3A_190 : vector<1x1x128xf32> to vector<1x128xf32>
    %swap3A_192 = arith.constant 0 : index
    %swap3A_193 = arith.index_cast %get3A_186 : i32 to index
    %swap3A_194 = arith.constant 0 : index
    %swap3A_195 = vector.load %arg3[%swap3A_192, %swap3A_193, %swap3A_194] : memref<2x4096x128xf32, #tpu.memory_space<vmem>>, vector<1x1x128xf32>
    %swap3A_196 = vector.shape_cast %swap3A_195 : vector<1x1x128xf32> to vector<1x128xf32>
    %swap3A_197 = vector.shape_cast %get3A_191 : vector<1x128xf32> to vector<1x1x128xf32>
    tpu.vector_store %arg3[%swap3A_192, %swap3A_193, %swap3A_194], %swap3A_197 {strides = array<i32>} : memref<2x4096x128xf32, #tpu.memory_space<vmem>>, vector<1x1x128xf32>,
    %get3A_198 = arith.constant 15 : index
    %get3A_199 = memref.load %arg1[%get3A_198] : memref<16xi32, #tpu.memory_space<smem>>
    %get3A_200 = arith.constant 0 : index
    %get3A_201 = arith.constant 15 : index
    %get3A_202 = arith.constant 0 : index
    %get3A_203 = vector.load %arg2[%get3A_200, %get3A_201, %get3A_202] : memref<2x16x128xf32, #tpu.memory_space<vmem>>, vector<1x1x128xf32>
    %get3A_204 = vector.shape_cast %get3A_203 : vector<1x1x128xf32> to vector<1x128xf32>
    %swap3A_205 = arith.constant 0 : index
    %swap3A_206 = arith.index_cast %get3A_199 : i32 to index
    %swap3A_207 = arith.constant 0 : index
    %swap3A_208 = vector.load %arg3[%swap3A_205, %swap3A_206, %swap3A_207] : memref<2x4096x128xf32, #tpu.memory_space<vmem>>, vector<1x1x128xf32>
    %swap3A_209 = vector.shape_cast %swap3A_208 : vector<1x1x128xf32> to vector<1x128xf32>
    %swap3A_210 = vector.shape_cast %get3A_204 : vector<1x128xf32> to vector<1x1x128xf32>
    tpu.vector_store %arg3[%swap3A_205, %swap3A_206, %swap3A_207], %swap3A_210 {strides = array<i32>} : memref<2x4096x128xf32, #tpu.memory_space<vmem>>, vector<1x1x128xf32>,
    %get3A_211 = arith.constant 0 : index
    %get3A_212 = memref.load %arg1[%get3A_211] : memref<16xi32, #tpu.memory_space<smem>>
    %get3A_213 = arith.constant 1 : index
    %get3A_214 = arith.constant 0 : index
    %get3A_215 = arith.constant 0 : index
    %get3A_216 = vector.load %arg2[%get3A_213, %get3A_214, %get3A_215] : memref<2x16x128xf32, #tpu.memory_space<vmem>>, vector<1x1x128xf32>
    %get3A_217 = vector.shape_cast %get3A_216 : vector<1x1x128xf32> to vector<1x128xf32>
    %swap3A_218 = arith.constant 1 : index
    %swap3A_219 = arith.index_cast %get3A_212 : i32 to index
    %swap3A_220 = arith.constant 0 : index
    %swap3A_221 = vector.load %arg3[%swap3A_218, %swap3A_219, %swap3A_220] : memref<2x4096x128xf32, #tpu.memory_space<vmem>>, vector<1x1x128xf32>
    %swap3A_222 = vector.shape_cast %swap3A_221 : vector<1x1x128xf32> to vector<1x128xf32>
    %swap3A_223 = vector.shape_cast %get3A_217 : vector<1x128xf32> to vector<1x1x128xf32>
    tpu.vector_store %arg3[%swap3A_218, %swap3A_219, %swap3A_220], %swap3A_223 {strides = array<i32>} : memref<2x4096x128xf32, #tpu.memory_space<vmem>>, vector<1x1x128xf32>,
    %get3A_224 = arith.constant 1 : index
    %get3A_225 = memref.load %arg1[%get3A_224] : memref<16xi32, #tpu.memory_space<smem>>
    %get3A_226 = arith.constant 1 : index
    %get3A_227 = arith.constant 1 : index
    %get3A_228 = arith.constant 0 : index
    %get3A_229 = vector.load %arg2[%get3A_226, %get3A_227, %get3A_228] : memref<2x16x128xf32, #tpu.memory_space<vmem>>, vector<1x1x128xf32>
    %get3A_230 = vector.shape_cast %get3A_229 : vector<1x1x128xf32> to vector<1x128xf32>
    %swap3A_231 = arith.constant 1 : index
    %swap3A_232 = arith.index_cast %get3A_225 : i32 to index
    %swap3A_233 = arith.constant 0 : index
    %swap3A_234 = vector.load %arg3[%swap3A_231, %swap3A_232, %swap3A_233] : memref<2x4096x128xf32, #tpu.memory_space<vmem>>, vector<1x1x128xf32>
    %swap3A_235 = vector.shape_cast %swap3A_234 : vector<1x1x128xf32> to vector<1x128xf32>
    %swap3A_236 = vector.shape_cast %get3A_230 : vector<1x128xf32> to vector<1x1x128xf32>
    tpu.vector_store %arg3[%swap3A_231, %swap3A_232, %swap3A_233], %swap3A_236 {strides = array<i32>} : memref<2x4096x128xf32, #tpu.memory_space<vmem>>, vector<1x1x128xf32>,
    %get3A_237 = arith.constant 2 : index
    %get3A_238 = memref.load %arg1[%get3A_237] : memref<16xi32, #tpu.memory_space<smem>>
    %get3A_239 = arith.constant 1 : index
    %get3A_240 = arith.constant 2 : index
    %get3A_241 = arith.constant 0 : index
    %get3A_242 = vector.load %arg2[%get3A_239, %get3A_240, %get3A_241] : memref<2x16x128xf32, #tpu.memory_space<vmem>>, vector<1x1x128xf32>
    %get3A_243 = vector.shape_cast %get3A_242 : vector<1x1x128xf32> to vector<1x128xf32>
    %swap3A_244 = arith.constant 1 : index
    %swap3A_245 = arith.index_cast %get3A_238 : i32 to index
    %swap3A_246 = arith.constant 0 : index
    %swap3A_247 = vector.load %arg3[%swap3A_244, %swap3A_245, %swap3A_246] : memref<2x4096x128xf32, #tpu.memory_space<vmem>>, vector<1x1x128xf32>
    %swap3A_248 = vector.shape_cast %swap3A_247 : vector<1x1x128xf32> to vector<1x128xf32>
    %swap3A_249 = vector.shape_cast %get3A_243 : vector<1x128xf32> to vector<1x1x128xf32>
    tpu.vector_store %arg3[%swap3A_244, %swap3A_245, %swap3A_246], %swap3A_249 {strides = array<i32>} : memref<2x4096x128xf32, #tpu.memory_space<vmem>>, vector<1x1x128xf32>,
    %get3A_250 = arith.constant 3 : index
    %get3A_251 = memref.load %arg1[%get3A_250] : memref<16xi32, #tpu.memory_space<smem>>
    %get3A_252 = arith.constant 1 : index
    %get3A_253 = arith.constant 3 : index
    %get3A_254 = arith.constant 0 : index
    %get3A_255 = vector.load %arg2[%get3A_252, %get3A_253, %get3A_254] : memref<2x16x128xf32, #tpu.memory_space<vmem>>, vector<1x1x128xf32>
    %get3A_256 = vector.shape_cast %get3A_255 : vector<1x1x128xf32> to vector<1x128xf32>
    %swap3A_257 = arith.constant 1 : index
    %swap3A_258 = arith.index_cast %get3A_251 : i32 to index
    %swap3A_259 = arith.constant 0 : index
    %swap3A_260 = vector.load %arg3[%swap3A_257, %swap3A_258, %swap3A_259] : memref<2x4096x128xf32, #tpu.memory_space<vmem>>, vector<1x1x128xf32>
    %swap3A_261 = vector.shape_cast %swap3A_260 : vector<1x1x128xf32> to vector<1x128xf32>
    %swap3A_262 = vector.shape_cast %get3A_256 : vector<1x128xf32> to vector<1x1x128xf32>
    tpu.vector_store %arg3[%swap3A_257, %swap3A_258, %swap3A_259], %swap3A_262 {strides = array<i32>} : memref<2x4096x128xf32, #tpu.memory_space<vmem>>, vector<1x1x128xf32>,
    %get3A_263 = arith.constant 4 : index
    %get3A_264 = memref.load %arg1[%get3A_263] : memref<16xi32, #tpu.memory_space<smem>>
    %get3A_265 = arith.constant 1 : index
    %get3A_266 = arith.constant 4 : index
    %get3A_267 = arith.constant 0 : index
    %get3A_268 = vector.load %arg2[%get3A_265, %get3A_266, %get3A_267] : memref<2x16x128xf32, #tpu.memory_space<vmem>>, vector<1x1x128xf32>
    %get3A_269 = vector.shape_cast %get3A_268 : vector<1x1x128xf32> to vector<1x128xf32>
    %swap3A_270 = arith.constant 1 : index
    %swap3A_271 = arith.index_cast %get3A_264 : i32 to index
    %swap3A_272 = arith.constant 0 : index
    %swap3A_273 = vector.load %arg3[%swap3A_270, %swap3A_271, %swap3A_272] : memref<2x4096x128xf32, #tpu.memory_space<vmem>>, vector<1x1x128xf32>
    %swap3A_274 = vector.shape_cast %swap3A_273 : vector<1x1x128xf32> to vector<1x128xf32>
    %swap3A_275 = vector.shape_cast %get3A_269 : vector<1x128xf32> to vector<1x1x128xf32>
    tpu.vector_store %arg3[%swap3A_270, %swap3A_271, %swap3A_272], %swap3A_275 {strides = array<i32>} : memref<2x4096x128xf32, #tpu.memory_space<vmem>>, vector<1x1x128xf32>,
    %get3A_276 = arith.constant 5 : index
    %get3A_277 = memref.load %arg1[%get3A_276] : memref<16xi32, #tpu.memory_space<smem>>
    %get3A_278 = arith.constant 1 : index
    %get3A_279 = arith.constant 5 : index
    %get3A_280 = arith.constant 0 : index
    %get3A_281 = vector.load %arg2[%get3A_278, %get3A_279, %get3A_280] : memref<2x16x128xf32, #tpu.memory_space<vmem>>, vector<1x1x128xf32>
    %get3A_282 = vector.shape_cast %get3A_281 : vector<1x1x128xf32> to vector<1x128xf32>
    %swap3A_283 = arith.constant 1 : index
    %swap3A_284 = arith.index_cast %get3A_277 : i32 to index
    %swap3A_285 = arith.constant 0 : index
    %swap3A_286 = vector.load %arg3[%swap3A_283, %swap3A_284, %swap3A_285] : memref<2x4096x128xf32, #tpu.memory_space<vmem>>, vector<1x1x128xf32>
    %swap3A_287 = vector.shape_cast %swap3A_286 : vector<1x1x128xf32> to vector<1x128xf32>
    %swap3A_288 = vector.shape_cast %get3A_282 : vector<1x128xf32> to vector<1x1x128xf32>
    tpu.vector_store %arg3[%swap3A_283, %swap3A_284, %swap3A_285], %swap3A_288 {strides = array<i32>} : memref<2x4096x128xf32, #tpu.memory_space<vmem>>, vector<1x1x128xf32>,
    %get3A_289 = arith.constant 6 : index
    %get3A_290 = memref.load %arg1[%get3A_289] : memref<16xi32, #tpu.memory_space<smem>>
    %get3A_291 = arith.constant 1 : index
    %get3A_292 = arith.constant 6 : index
    %get3A_293 = arith.constant 0 : index
    %get3A_294 = vector.load %arg2[%get3A_291, %get3A_292, %get3A_293] : memref<2x16x128xf32, #tpu.memory_space<vmem>>, vector<1x1x128xf32>
    %get3A_295 = vector.shape_cast %get3A_294 : vector<1x1x128xf32> to vector<1x128xf32>
    %swap3A_296 = arith.constant 1 : index
    %swap3A_297 = arith.index_cast %get3A_290 : i32 to index
    %swap3A_298 = arith.constant 0 : index
    %swap3A_299 = vector.load %arg3[%swap3A_296, %swap3A_297, %swap3A_298] : memref<2x4096x128xf32, #tpu.memory_space<vmem>>, vector<1x1x128xf32>
    %swap3A_300 = vector.shape_cast %swap3A_299 : vector<1x1x128xf32> to vector<1x128xf32>
    %swap3A_301 = vector.shape_cast %get3A_295 : vector<1x128xf32> to vector<1x1x128xf32>
    tpu.vector_store %arg3[%swap3A_296, %swap3A_297, %swap3A_298], %swap3A_301 {strides = array<i32>} : memref<2x4096x128xf32, #tpu.memory_space<vmem>>, vector<1x1x128xf32>,
    %get3A_302 = arith.constant 7 : index
    %get3A_303 = memref.load %arg1[%get3A_302] : memref<16xi32, #tpu.memory_space<smem>>
    %get3A_304 = arith.constant 1 : index
    %get3A_305 = arith.constant 7 : index
    %get3A_306 = arith.constant 0 : index
    %get3A_307 = vector.load %arg2[%get3A_304, %get3A_305, %get3A_306] : memref<2x16x128xf32, #tpu.memory_space<vmem>>, vector<1x1x128xf32>
    %get3A_308 = vector.shape_cast %get3A_307 : vector<1x1x128xf32> to vector<1x128xf32>
    %swap3A_309 = arith.constant 1 : index
    %swap3A_310 = arith.index_cast %get3A_303 : i32 to index
    %swap3A_311 = arith.constant 0 : index
    %swap3A_312 = vector.load %arg3[%swap3A_309, %swap3A_310, %swap3A_311] : memref<2x4096x128xf32, #tpu.memory_space<vmem>>, vector<1x1x128xf32>
    %swap3A_313 = vector.shape_cast %swap3A_312 : vector<1x1x128xf32> to vector<1x128xf32>
    %swap3A_314 = vector.shape_cast %get3A_308 : vector<1x128xf32> to vector<1x1x128xf32>
    tpu.vector_store %arg3[%swap3A_309, %swap3A_310, %swap3A_311], %swap3A_314 {strides = array<i32>} : memref<2x4096x128xf32, #tpu.memory_space<vmem>>, vector<1x1x128xf32>,
    %get3A_315 = arith.constant 8 : index
    %get3A_316 = memref.load %arg1[%get3A_315] : memref<16xi32, #tpu.memory_space<smem>>
    %get3A_317 = arith.constant 1 : index
    %get3A_318 = arith.constant 8 : index
    %get3A_319 = arith.constant 0 : index
    %get3A_320 = vector.load %arg2[%get3A_317, %get3A_318, %get3A_319] : memref<2x16x128xf32, #tpu.memory_space<vmem>>, vector<1x1x128xf32>
    %get3A_321 = vector.shape_cast %get3A_320 : vector<1x1x128xf32> to vector<1x128xf32>
    %swap3A_322 = arith.constant 1 : index
    %swap3A_323 = arith.index_cast %get3A_316 : i32 to index
    %swap3A_324 = arith.constant 0 : index
    %swap3A_325 = vector.load %arg3[%swap3A_322, %swap3A_323, %swap3A_324] : memref<2x4096x128xf32, #tpu.memory_space<vmem>>, vector<1x1x128xf32>
    %swap3A_326 = vector.shape_cast %swap3A_325 : vector<1x1x128xf32> to vector<1x128xf32>
    %swap3A_327 = vector.shape_cast %get3A_321 : vector<1x128xf32> to vector<1x1x128xf32>
    tpu.vector_store %arg3[%swap3A_322, %swap3A_323, %swap3A_324], %swap3A_327 {strides = array<i32>} : memref<2x4096x128xf32, #tpu.memory_space<vmem>>, vector<1x1x128xf32>,
    %get3A_328 = arith.constant 9 : index
    %get3A_329 = memref.load %arg1[%get3A_328] : memref<16xi32, #tpu.memory_space<smem>>
    %get3A_330 = arith.constant 1 : index
    %get3A_331 = arith.constant 9 : index
    %get3A_332 = arith.constant 0 : index
    %get3A_333 = vector.load %arg2[%get3A_330, %get3A_331, %get3A_332] : memref<2x16x128xf32, #tpu.memory_space<vmem>>, vector<1x1x128xf32>
    %get3A_334 = vector.shape_cast %get3A_333 : vector<1x1x128xf32> to vector<1x128xf32>
    %swap3A_335 = arith.constant 1 : index
    %swap3A_336 = arith.index_cast %get3A_329 : i32 to index
    %swap3A_337 = arith.constant 0 : index
    %swap3A_338 = vector.load %arg3[%swap3A_335, %swap3A_336, %swap3A_337] : memref<2x4096x128xf32, #tpu.memory_space<vmem>>, vector<1x1x128xf32>
    %swap3A_339 = vector.shape_cast %swap3A_338 : vector<1x1x128xf32> to vector<1x128xf32>
    %swap3A_340 = vector.shape_cast %get3A_334 : vector<1x128xf32> to vector<1x1x128xf32>
    tpu.vector_store %arg3[%swap3A_335, %swap3A_336, %swap3A_337], %swap3A_340 {strides = array<i32>} : memref<2x4096x128xf32, #tpu.memory_space<vmem>>, vector<1x1x128xf32>,
    %get3A_341 = arith.constant 10 : index
    %get3A_342 = memref.load %arg1[%get3A_341] : memref<16xi32, #tpu.memory_space<smem>>
    %get3A_343 = arith.constant 1 : index
    %get3A_344 = arith.constant 10 : index
    %get3A_345 = arith.constant 0 : index
    %get3A_346 = vector.load %arg2[%get3A_343, %get3A_344, %get3A_345] : memref<2x16x128xf32, #tpu.memory_space<vmem>>, vector<1x1x128xf32>
    %get3A_347 = vector.shape_cast %get3A_346 : vector<1x1x128xf32> to vector<1x128xf32>
    %swap3A_348 = arith.constant 1 : index
    %swap3A_349 = arith.index_cast %get3A_342 : i32 to index
    %swap3A_350 = arith.constant 0 : index
    %swap3A_351 = vector.load %arg3[%swap3A_348, %swap3A_349, %swap3A_350] : memref<2x4096x128xf32, #tpu.memory_space<vmem>>, vector<1x1x128xf32>
    %swap3A_352 = vector.shape_cast %swap3A_351 : vector<1x1x128xf32> to vector<1x128xf32>
    %swap3A_353 = vector.shape_cast %get3A_347 : vector<1x128xf32> to vector<1x1x128xf32>
    tpu.vector_store %arg3[%swap3A_348, %swap3A_349, %swap3A_350], %swap3A_353 {strides = array<i32>} : memref<2x4096x128xf32, #tpu.memory_space<vmem>>, vector<1x1x128xf32>,
    %get3A_354 = arith.constant 11 : index
    %get3A_355 = memref.load %arg1[%get3A_354] : memref<16xi32, #tpu.memory_space<smem>>
    %get3A_356 = arith.constant 1 : index
    %get3A_357 = arith.constant 11 : index
    %get3A_358 = arith.constant 0 : index
    %get3A_359 = vector.load %arg2[%get3A_356, %get3A_357, %get3A_358] : memref<2x16x128xf32, #tpu.memory_space<vmem>>, vector<1x1x128xf32>
    %get3A_360 = vector.shape_cast %get3A_359 : vector<1x1x128xf32> to vector<1x128xf32>
    %swap3A_361 = arith.constant 1 : index
    %swap3A_362 = arith.index_cast %get3A_355 : i32 to index
    %swap3A_363 = arith.constant 0 : index
    %swap3A_364 = vector.load %arg3[%swap3A_361, %swap3A_362, %swap3A_363] : memref<2x4096x128xf32, #tpu.memory_space<vmem>>, vector<1x1x128xf32>
    %swap3A_365 = vector.shape_cast %swap3A_364 : vector<1x1x128xf32> to vector<1x128xf32>
    %swap3A_366 = vector.shape_cast %get3A_360 : vector<1x128xf32> to vector<1x1x128xf32>
    tpu.vector_store %arg3[%swap3A_361, %swap3A_362, %swap3A_363], %swap3A_366 {strides = array<i32>} : memref<2x4096x128xf32, #tpu.memory_space<vmem>>, vector<1x1x128xf32>,
    %get3A_367 = arith.constant 12 : index
    %get3A_368 = memref.load %arg1[%get3A_367] : memref<16xi32, #tpu.memory_space<smem>>
    %get3A_369 = arith.constant 1 : index
    %get3A_370 = arith.constant 12 : index
    %get3A_371 = arith.constant 0 : index
    %get3A_372 = vector.load %arg2[%get3A_369, %get3A_370, %get3A_371] : memref<2x16x128xf32, #tpu.memory_space<vmem>>, vector<1x1x128xf32>
    %get3A_373 = vector.shape_cast %get3A_372 : vector<1x1x128xf32> to vector<1x128xf32>
    %swap3A_374 = arith.constant 1 : index
    %swap3A_375 = arith.index_cast %get3A_368 : i32 to index
    %swap3A_376 = arith.constant 0 : index
    %swap3A_377 = vector.load %arg3[%swap3A_374, %swap3A_375, %swap3A_376] : memref<2x4096x128xf32, #tpu.memory_space<vmem>>, vector<1x1x128xf32>
    %swap3A_378 = vector.shape_cast %swap3A_377 : vector<1x1x128xf32> to vector<1x128xf32>
    %swap3A_379 = vector.shape_cast %get3A_373 : vector<1x128xf32> to vector<1x1x128xf32>
    tpu.vector_store %arg3[%swap3A_374, %swap3A_375, %swap3A_376], %swap3A_379 {strides = array<i32>} : memref<2x4096x128xf32, #tpu.memory_space<vmem>>, vector<1x1x128xf32>,
    %get3A_380 = arith.constant 13 : index
    %get3A_381 = memref.load %arg1[%get3A_380] : memref<16xi32, #tpu.memory_space<smem>>
    %get3A_382 = arith.constant 1 : index
    %get3A_383 = arith.constant 13 : index
    %get3A_384 = arith.constant 0 : index
    %get3A_385 = vector.load %arg2[%get3A_382, %get3A_383, %get3A_384] : memref<2x16x128xf32, #tpu.memory_space<vmem>>, vector<1x1x128xf32>
    %get3A_386 = vector.shape_cast %get3A_385 : vector<1x1x128xf32> to vector<1x128xf32>
    %swap3A_387 = arith.constant 1 : index
    %swap3A_388 = arith.index_cast %get3A_381 : i32 to index
    %swap3A_389 = arith.constant 0 : index
    %swap3A_390 = vector.load %arg3[%swap3A_387, %swap3A_388, %swap3A_389] : memref<2x4096x128xf32, #tpu.memory_space<vmem>>, vector<1x1x128xf32>
    %swap3A_391 = vector.shape_cast %swap3A_390 : vector<1x1x128xf32> to vector<1x128xf32>
    %swap3A_392 = vector.shape_cast %get3A_386 : vector<1x128xf32> to vector<1x1x128xf32>
    tpu.vector_store %arg3[%swap3A_387, %swap3A_388, %swap3A_389], %swap3A_392 {strides = array<i32>} : memref<2x4096x128xf32, #tpu.memory_space<vmem>>, vector<1x1x128xf32>,
    %get3A_393 = arith.constant 14 : index
    %get3A_394 = memref.load %arg1[%get3A_393] : memref<16xi32, #tpu.memory_space<smem>>
    %get3A_395 = arith.constant 1 : index
    %get3A_396 = arith.constant 14 : index
    %get3A_397 = arith.constant 0 : index
    %get3A_398 = vector.load %arg2[%get3A_395, %get3A_396, %get3A_397] : memref<2x16x128xf32, #tpu.memory_space<vmem>>, vector<1x1x128xf32>
    %get3A_399 = vector.shape_cast %get3A_398 : vector<1x1x128xf32> to vector<1x128xf32>
    %swap3A_400 = arith.constant 1 : index
    %swap3A_401 = arith.index_cast %get3A_394 : i32 to index
    %swap3A_402 = arith.constant 0 : index
    %swap3A_403 = vector.load %arg3[%swap3A_400, %swap3A_401, %swap3A_402] : memref<2x4096x128xf32, #tpu.memory_space<vmem>>, vector<1x1x128xf32>
    %swap3A_404 = vector.shape_cast %swap3A_403 : vector<1x1x128xf32> to vector<1x128xf32>
    %swap3A_405 = vector.shape_cast %get3A_399 : vector<1x128xf32> to vector<1x1x128xf32>
    tpu.vector_store %arg3[%swap3A_400, %swap3A_401, %swap3A_402], %swap3A_405 {strides = array<i32>} : memref<2x4096x128xf32, #tpu.memory_space<vmem>>, vector<1x1x128xf32>,
    %get3A_406 = arith.constant 15 : index
    %get3A_407 = memref.load %arg1[%get3A_406] : memref<16xi32, #tpu.memory_space<smem>>
    %get3A_408 = arith.constant 1 : index
    %get3A_409 = arith.constant 15 : index
    %get3A_410 = arith.constant 0 : index
    %get3A_411 = vector.load %arg2[%get3A_408, %get3A_409, %get3A_410] : memref<2x16x128xf32, #tpu.memory_space<vmem>>, vector<1x1x128xf32>
    %get3A_412 = vector.shape_cast %get3A_411 : vector<1x1x128xf32> to vector<1x128xf32>
    %swap3A_413 = arith.constant 1 : index
    %swap3A_414 = arith.index_cast %get3A_407 : i32 to index
    %swap3A_415 = arith.constant 0 : index
    %swap3A_416 = vector.load %arg3[%swap3A_413, %swap3A_414, %swap3A_415] : memref<2x4096x128xf32, #tpu.memory_space<vmem>>, vector<1x1x128xf32>
    %swap3A_417 = vector.shape_cast %swap3A_416 : vector<1x1x128xf32> to vector<1x128xf32>
    %swap3A_418 = vector.shape_cast %get3A_412 : vector<1x128xf32> to vector<1x1x128xf32>
    tpu.vector_store %arg3[%swap3A_413, %swap3A_414, %swap3A_415], %swap3A_418 {strides = array<i32>} : memref<2x4096x128xf32, #tpu.memory_space<vmem>>, vector<1x1x128xf32>,
    return
  }
  func.func @transform_0(%arg0: i32, %arg1: memref<16xi32, #tpu.memory_space<smem>>) -> (i32, i32, i32) {
    %c0_i32 = arith.constant 0 : i32
    %c0_i32_0 = arith.constant 0 : i32
    %c0_i32_1 = arith.constant 0 : i32
    return %arg0, %c0_i32, %c0_i32_0 : i32, i32, i32
  }
  func.func @transform_1(%arg0: i32, %arg1: memref<16xi32, #tpu.memory_space<smem>>) -> (i32, i32, i32) {
    %c0_i32 = arith.constant 0 : i32
    %c0_i32_0 = arith.constant 0 : i32
    %c0_i32_1 = arith.constant 0 : i32
    return %arg0, %c0_i32, %c0_i32_0 : i32, i32, i32
  }
}

module attributes {stable_mosaic.version = 14 : i64} {
  func.func @_tc_top_body(%arg0: i32, %arg1: i32, %arg2: memref<16xi32, #tpu.memory_space<smem>>, %arg3: memref<128x4096x128xf32, #tpu.memory_space<any>>, %arg4: memref<2x16x128xf32, #tpu.memory_space<vmem>>, %arg5: memref<2x2048x128xf32, #tpu.memory_space<vmem>>) attributes {dimension_semantics = [#tpu.dimension_semantics<parallel>, #tpu.dimension_semantics<arbitrary>], iteration_bounds = array<i64: 64, 1>, scalar_prefetch = 1 : i64, scratch_operands = 0 : i64, tpu.core_type = #tpu.core_type<tc>, window_params = [{}, {transform_indices = @transform_1, window_bounds = array<i64: 2, 16, 128>}, {transform_indices = @transform_2, window_bounds = array<i64: 2, 2048, 128>}]} {
    %mul3A = arith.constant 2048 : i32
    %mul3A_0 = arith.muli %arg1, %mul3A : i32
    %add3A = arith.constant 2048 : i32
    %add3A_1 = arith.addi %add3A, %mul3A_0 : i32
    %broadcast_in_dim3A = arith.constant 0.000000e+00 : f32
    %broadcast_in_dim3A_2 = vector.broadcast %broadcast_in_dim3A : f32 to vector<2x2048x128xf32>
    %swap3A = arith.constant 0 : index
    %swap3A_3 = arith.constant 0 : index
    %swap3A_4 = arith.constant 0 : index
    %swap3A_5 = vector.load %arg5[%swap3A, %swap3A_3, %swap3A_4] : memref<2x2048x128xf32, #tpu.memory_space<vmem>>, vector<2x2048x128xf32>
    tpu.vector_store %arg5[%swap3A, %swap3A_3, %swap3A_4], %broadcast_in_dim3A_2 {strides = array<i32>} : memref<2x2048x128xf32, #tpu.memory_space<vmem>>, vector<2x2048x128xf32>,
    %get3A = arith.constant 0 : index
    %get3A_6 = memref.load %arg2[%get3A] : memref<16xi32, #tpu.memory_space<smem>>
    %ge3A = arith.cmpi sge, %get3A_6, %add3A_1 : i32
    %add3A_7 = arith.constant 2048 : i32
    %add3A_8 = arith.addi %add3A_1, %add3A_7 : i32
    %lt3A = arith.cmpi slt, %get3A_6, %add3A_8 : i32
    %and3A = arith.andi %ge3A, %lt3A : i1
    %convert_element_type3A = arith.extui %and3A : i1 to i32
    %cond3A = arith.constant 0 : i32
    %cond3A_9 = arith.cmpi ne, %convert_element_type3A, %cond3A : i32
    scf.if %cond3A_9 {
      %get3A_320 = arith.constant 0 : index
      %get3A_321 = arith.constant 0 : index
      %get3A_322 = arith.constant 0 : index
      %get3A_323 = vector.load %arg4[%get3A_320, %get3A_321, %get3A_322] : memref<2x16x128xf32, #tpu.memory_space<vmem>>, vector<1x1x128xf32>
      %get3A_324 = vector.shape_cast %get3A_323 : vector<1x1x128xf32> to vector<1x128xf32>
      %sub3A = arith.subi %get3A_6, %add3A_1 : i32
      %swap3A_325 = arith.constant 0 : index
      %swap3A_326 = arith.index_cast %sub3A : i32 to index
      %swap3A_327 = arith.constant 0 : index
      %swap3A_328 = vector.load %arg5[%swap3A_325, %swap3A_326, %swap3A_327] : memref<2x2048x128xf32, #tpu.memory_space<vmem>>, vector<1x1x128xf32>
      %swap3A_329 = vector.shape_cast %swap3A_328 : vector<1x1x128xf32> to vector<1x128xf32>
      %swap3A_330 = vector.shape_cast %get3A_324 : vector<1x128xf32> to vector<1x1x128xf32>
      tpu.vector_store %arg5[%swap3A_325, %swap3A_326, %swap3A_327], %swap3A_330 {strides = array<i32>} : memref<2x2048x128xf32, #tpu.memory_space<vmem>>, vector<1x1x128xf32>,
    } else {
    }
    %get3A_10 = arith.constant 1 : index
    %get3A_11 = memref.load %arg2[%get3A_10] : memref<16xi32, #tpu.memory_space<smem>>
    %ge3A_12 = arith.cmpi sge, %get3A_11, %add3A_1 : i32
    %add3A_13 = arith.constant 2048 : i32
    %add3A_14 = arith.addi %add3A_1, %add3A_13 : i32
    %lt3A_15 = arith.cmpi slt, %get3A_11, %add3A_14 : i32
    %and3A_16 = arith.andi %ge3A_12, %lt3A_15 : i1
    %convert_element_type3A_17 = arith.extui %and3A_16 : i1 to i32
    %cond3A_18 = arith.constant 0 : i32
    %cond3A_19 = arith.cmpi ne, %convert_element_type3A_17, %cond3A_18 : i32
    scf.if %cond3A_19 {
      %get3A_320 = arith.constant 0 : index
      %get3A_321 = arith.constant 1 : index
      %get3A_322 = arith.constant 0 : index
      %get3A_323 = vector.load %arg4[%get3A_320, %get3A_321, %get3A_322] : memref<2x16x128xf32, #tpu.memory_space<vmem>>, vector<1x1x128xf32>
      %get3A_324 = vector.shape_cast %get3A_323 : vector<1x1x128xf32> to vector<1x128xf32>
      %sub3A = arith.subi %get3A_11, %add3A_1 : i32
      %swap3A_325 = arith.constant 0 : index
      %swap3A_326 = arith.index_cast %sub3A : i32 to index
      %swap3A_327 = arith.constant 0 : index
      %swap3A_328 = vector.load %arg5[%swap3A_325, %swap3A_326, %swap3A_327] : memref<2x2048x128xf32, #tpu.memory_space<vmem>>, vector<1x1x128xf32>
      %swap3A_329 = vector.shape_cast %swap3A_328 : vector<1x1x128xf32> to vector<1x128xf32>
      %swap3A_330 = vector.shape_cast %get3A_324 : vector<1x128xf32> to vector<1x1x128xf32>
      tpu.vector_store %arg5[%swap3A_325, %swap3A_326, %swap3A_327], %swap3A_330 {strides = array<i32>} : memref<2x2048x128xf32, #tpu.memory_space<vmem>>, vector<1x1x128xf32>,
    } else {
    }
    %get3A_20 = arith.constant 2 : index
    %get3A_21 = memref.load %arg2[%get3A_20] : memref<16xi32, #tpu.memory_space<smem>>
    %ge3A_22 = arith.cmpi sge, %get3A_21, %add3A_1 : i32
    %add3A_23 = arith.constant 2048 : i32
    %add3A_24 = arith.addi %add3A_1, %add3A_23 : i32
    %lt3A_25 = arith.cmpi slt, %get3A_21, %add3A_24 : i32
    %and3A_26 = arith.andi %ge3A_22, %lt3A_25 : i1
    %convert_element_type3A_27 = arith.extui %and3A_26 : i1 to i32
    %cond3A_28 = arith.constant 0 : i32
    %cond3A_29 = arith.cmpi ne, %convert_element_type3A_27, %cond3A_28 : i32
    scf.if %cond3A_29 {
      %get3A_320 = arith.constant 0 : index
      %get3A_321 = arith.constant 2 : index
      %get3A_322 = arith.constant 0 : index
      %get3A_323 = vector.load %arg4[%get3A_320, %get3A_321, %get3A_322] : memref<2x16x128xf32, #tpu.memory_space<vmem>>, vector<1x1x128xf32>
      %get3A_324 = vector.shape_cast %get3A_323 : vector<1x1x128xf32> to vector<1x128xf32>
      %sub3A = arith.subi %get3A_21, %add3A_1 : i32
      %swap3A_325 = arith.constant 0 : index
      %swap3A_326 = arith.index_cast %sub3A : i32 to index
      %swap3A_327 = arith.constant 0 : index
      %swap3A_328 = vector.load %arg5[%swap3A_325, %swap3A_326, %swap3A_327] : memref<2x2048x128xf32, #tpu.memory_space<vmem>>, vector<1x1x128xf32>
      %swap3A_329 = vector.shape_cast %swap3A_328 : vector<1x1x128xf32> to vector<1x128xf32>
      %swap3A_330 = vector.shape_cast %get3A_324 : vector<1x128xf32> to vector<1x1x128xf32>
      tpu.vector_store %arg5[%swap3A_325, %swap3A_326, %swap3A_327], %swap3A_330 {strides = array<i32>} : memref<2x2048x128xf32, #tpu.memory_space<vmem>>, vector<1x1x128xf32>,
    } else {
    }
    %get3A_30 = arith.constant 3 : index
    %get3A_31 = memref.load %arg2[%get3A_30] : memref<16xi32, #tpu.memory_space<smem>>
    %ge3A_32 = arith.cmpi sge, %get3A_31, %add3A_1 : i32
    %add3A_33 = arith.constant 2048 : i32
    %add3A_34 = arith.addi %add3A_1, %add3A_33 : i32
    %lt3A_35 = arith.cmpi slt, %get3A_31, %add3A_34 : i32
    %and3A_36 = arith.andi %ge3A_32, %lt3A_35 : i1
    %convert_element_type3A_37 = arith.extui %and3A_36 : i1 to i32
    %cond3A_38 = arith.constant 0 : i32
    %cond3A_39 = arith.cmpi ne, %convert_element_type3A_37, %cond3A_38 : i32
    scf.if %cond3A_39 {
      %get3A_320 = arith.constant 0 : index
      %get3A_321 = arith.constant 3 : index
      %get3A_322 = arith.constant 0 : index
      %get3A_323 = vector.load %arg4[%get3A_320, %get3A_321, %get3A_322] : memref<2x16x128xf32, #tpu.memory_space<vmem>>, vector<1x1x128xf32>
      %get3A_324 = vector.shape_cast %get3A_323 : vector<1x1x128xf32> to vector<1x128xf32>
      %sub3A = arith.subi %get3A_31, %add3A_1 : i32
      %swap3A_325 = arith.constant 0 : index
      %swap3A_326 = arith.index_cast %sub3A : i32 to index
      %swap3A_327 = arith.constant 0 : index
      %swap3A_328 = vector.load %arg5[%swap3A_325, %swap3A_326, %swap3A_327] : memref<2x2048x128xf32, #tpu.memory_space<vmem>>, vector<1x1x128xf32>
      %swap3A_329 = vector.shape_cast %swap3A_328 : vector<1x1x128xf32> to vector<1x128xf32>
      %swap3A_330 = vector.shape_cast %get3A_324 : vector<1x128xf32> to vector<1x1x128xf32>
      tpu.vector_store %arg5[%swap3A_325, %swap3A_326, %swap3A_327], %swap3A_330 {strides = array<i32>} : memref<2x2048x128xf32, #tpu.memory_space<vmem>>, vector<1x1x128xf32>,
    } else {
    }
    %get3A_40 = arith.constant 4 : index
    %get3A_41 = memref.load %arg2[%get3A_40] : memref<16xi32, #tpu.memory_space<smem>>
    %ge3A_42 = arith.cmpi sge, %get3A_41, %add3A_1 : i32
    %add3A_43 = arith.constant 2048 : i32
    %add3A_44 = arith.addi %add3A_1, %add3A_43 : i32
    %lt3A_45 = arith.cmpi slt, %get3A_41, %add3A_44 : i32
    %and3A_46 = arith.andi %ge3A_42, %lt3A_45 : i1
    %convert_element_type3A_47 = arith.extui %and3A_46 : i1 to i32
    %cond3A_48 = arith.constant 0 : i32
    %cond3A_49 = arith.cmpi ne, %convert_element_type3A_47, %cond3A_48 : i32
    scf.if %cond3A_49 {
      %get3A_320 = arith.constant 0 : index
      %get3A_321 = arith.constant 4 : index
      %get3A_322 = arith.constant 0 : index
      %get3A_323 = vector.load %arg4[%get3A_320, %get3A_321, %get3A_322] : memref<2x16x128xf32, #tpu.memory_space<vmem>>, vector<1x1x128xf32>
      %get3A_324 = vector.shape_cast %get3A_323 : vector<1x1x128xf32> to vector<1x128xf32>
      %sub3A = arith.subi %get3A_41, %add3A_1 : i32
      %swap3A_325 = arith.constant 0 : index
      %swap3A_326 = arith.index_cast %sub3A : i32 to index
      %swap3A_327 = arith.constant 0 : index
      %swap3A_328 = vector.load %arg5[%swap3A_325, %swap3A_326, %swap3A_327] : memref<2x2048x128xf32, #tpu.memory_space<vmem>>, vector<1x1x128xf32>
      %swap3A_329 = vector.shape_cast %swap3A_328 : vector<1x1x128xf32> to vector<1x128xf32>
      %swap3A_330 = vector.shape_cast %get3A_324 : vector<1x128xf32> to vector<1x1x128xf32>
      tpu.vector_store %arg5[%swap3A_325, %swap3A_326, %swap3A_327], %swap3A_330 {strides = array<i32>} : memref<2x2048x128xf32, #tpu.memory_space<vmem>>, vector<1x1x128xf32>,
    } else {
    }
    %get3A_50 = arith.constant 5 : index
    %get3A_51 = memref.load %arg2[%get3A_50] : memref<16xi32, #tpu.memory_space<smem>>
    %ge3A_52 = arith.cmpi sge, %get3A_51, %add3A_1 : i32
    %add3A_53 = arith.constant 2048 : i32
    %add3A_54 = arith.addi %add3A_1, %add3A_53 : i32
    %lt3A_55 = arith.cmpi slt, %get3A_51, %add3A_54 : i32
    %and3A_56 = arith.andi %ge3A_52, %lt3A_55 : i1
    %convert_element_type3A_57 = arith.extui %and3A_56 : i1 to i32
    %cond3A_58 = arith.constant 0 : i32
    %cond3A_59 = arith.cmpi ne, %convert_element_type3A_57, %cond3A_58 : i32
    scf.if %cond3A_59 {
      %get3A_320 = arith.constant 0 : index
      %get3A_321 = arith.constant 5 : index
      %get3A_322 = arith.constant 0 : index
      %get3A_323 = vector.load %arg4[%get3A_320, %get3A_321, %get3A_322] : memref<2x16x128xf32, #tpu.memory_space<vmem>>, vector<1x1x128xf32>
      %get3A_324 = vector.shape_cast %get3A_323 : vector<1x1x128xf32> to vector<1x128xf32>
      %sub3A = arith.subi %get3A_51, %add3A_1 : i32
      %swap3A_325 = arith.constant 0 : index
      %swap3A_326 = arith.index_cast %sub3A : i32 to index
      %swap3A_327 = arith.constant 0 : index
      %swap3A_328 = vector.load %arg5[%swap3A_325, %swap3A_326, %swap3A_327] : memref<2x2048x128xf32, #tpu.memory_space<vmem>>, vector<1x1x128xf32>
      %swap3A_329 = vector.shape_cast %swap3A_328 : vector<1x1x128xf32> to vector<1x128xf32>
      %swap3A_330 = vector.shape_cast %get3A_324 : vector<1x128xf32> to vector<1x1x128xf32>
      tpu.vector_store %arg5[%swap3A_325, %swap3A_326, %swap3A_327], %swap3A_330 {strides = array<i32>} : memref<2x2048x128xf32, #tpu.memory_space<vmem>>, vector<1x1x128xf32>,
    } else {
    }
    %get3A_60 = arith.constant 6 : index
    %get3A_61 = memref.load %arg2[%get3A_60] : memref<16xi32, #tpu.memory_space<smem>>
    %ge3A_62 = arith.cmpi sge, %get3A_61, %add3A_1 : i32
    %add3A_63 = arith.constant 2048 : i32
    %add3A_64 = arith.addi %add3A_1, %add3A_63 : i32
    %lt3A_65 = arith.cmpi slt, %get3A_61, %add3A_64 : i32
    %and3A_66 = arith.andi %ge3A_62, %lt3A_65 : i1
    %convert_element_type3A_67 = arith.extui %and3A_66 : i1 to i32
    %cond3A_68 = arith.constant 0 : i32
    %cond3A_69 = arith.cmpi ne, %convert_element_type3A_67, %cond3A_68 : i32
    scf.if %cond3A_69 {
      %get3A_320 = arith.constant 0 : index
      %get3A_321 = arith.constant 6 : index
      %get3A_322 = arith.constant 0 : index
      %get3A_323 = vector.load %arg4[%get3A_320, %get3A_321, %get3A_322] : memref<2x16x128xf32, #tpu.memory_space<vmem>>, vector<1x1x128xf32>
      %get3A_324 = vector.shape_cast %get3A_323 : vector<1x1x128xf32> to vector<1x128xf32>
      %sub3A = arith.subi %get3A_61, %add3A_1 : i32
      %swap3A_325 = arith.constant 0 : index
      %swap3A_326 = arith.index_cast %sub3A : i32 to index
      %swap3A_327 = arith.constant 0 : index
      %swap3A_328 = vector.load %arg5[%swap3A_325, %swap3A_326, %swap3A_327] : memref<2x2048x128xf32, #tpu.memory_space<vmem>>, vector<1x1x128xf32>
      %swap3A_329 = vector.shape_cast %swap3A_328 : vector<1x1x128xf32> to vector<1x128xf32>
      %swap3A_330 = vector.shape_cast %get3A_324 : vector<1x128xf32> to vector<1x1x128xf32>
      tpu.vector_store %arg5[%swap3A_325, %swap3A_326, %swap3A_327], %swap3A_330 {strides = array<i32>} : memref<2x2048x128xf32, #tpu.memory_space<vmem>>, vector<1x1x128xf32>,
    } else {
    }
    %get3A_70 = arith.constant 7 : index
    %get3A_71 = memref.load %arg2[%get3A_70] : memref<16xi32, #tpu.memory_space<smem>>
    %ge3A_72 = arith.cmpi sge, %get3A_71, %add3A_1 : i32
    %add3A_73 = arith.constant 2048 : i32
    %add3A_74 = arith.addi %add3A_1, %add3A_73 : i32
    %lt3A_75 = arith.cmpi slt, %get3A_71, %add3A_74 : i32
    %and3A_76 = arith.andi %ge3A_72, %lt3A_75 : i1
    %convert_element_type3A_77 = arith.extui %and3A_76 : i1 to i32
    %cond3A_78 = arith.constant 0 : i32
    %cond3A_79 = arith.cmpi ne, %convert_element_type3A_77, %cond3A_78 : i32
    scf.if %cond3A_79 {
      %get3A_320 = arith.constant 0 : index
      %get3A_321 = arith.constant 7 : index
      %get3A_322 = arith.constant 0 : index
      %get3A_323 = vector.load %arg4[%get3A_320, %get3A_321, %get3A_322] : memref<2x16x128xf32, #tpu.memory_space<vmem>>, vector<1x1x128xf32>
      %get3A_324 = vector.shape_cast %get3A_323 : vector<1x1x128xf32> to vector<1x128xf32>
      %sub3A = arith.subi %get3A_71, %add3A_1 : i32
      %swap3A_325 = arith.constant 0 : index
      %swap3A_326 = arith.index_cast %sub3A : i32 to index
      %swap3A_327 = arith.constant 0 : index
      %swap3A_328 = vector.load %arg5[%swap3A_325, %swap3A_326, %swap3A_327] : memref<2x2048x128xf32, #tpu.memory_space<vmem>>, vector<1x1x128xf32>
      %swap3A_329 = vector.shape_cast %swap3A_328 : vector<1x1x128xf32> to vector<1x128xf32>
      %swap3A_330 = vector.shape_cast %get3A_324 : vector<1x128xf32> to vector<1x1x128xf32>
      tpu.vector_store %arg5[%swap3A_325, %swap3A_326, %swap3A_327], %swap3A_330 {strides = array<i32>} : memref<2x2048x128xf32, #tpu.memory_space<vmem>>, vector<1x1x128xf32>,
    } else {
    }
    %get3A_80 = arith.constant 8 : index
    %get3A_81 = memref.load %arg2[%get3A_80] : memref<16xi32, #tpu.memory_space<smem>>
    %ge3A_82 = arith.cmpi sge, %get3A_81, %add3A_1 : i32
    %add3A_83 = arith.constant 2048 : i32
    %add3A_84 = arith.addi %add3A_1, %add3A_83 : i32
    %lt3A_85 = arith.cmpi slt, %get3A_81, %add3A_84 : i32
    %and3A_86 = arith.andi %ge3A_82, %lt3A_85 : i1
    %convert_element_type3A_87 = arith.extui %and3A_86 : i1 to i32
    %cond3A_88 = arith.constant 0 : i32
    %cond3A_89 = arith.cmpi ne, %convert_element_type3A_87, %cond3A_88 : i32
    scf.if %cond3A_89 {
      %get3A_320 = arith.constant 0 : index
      %get3A_321 = arith.constant 8 : index
      %get3A_322 = arith.constant 0 : index
      %get3A_323 = vector.load %arg4[%get3A_320, %get3A_321, %get3A_322] : memref<2x16x128xf32, #tpu.memory_space<vmem>>, vector<1x1x128xf32>
      %get3A_324 = vector.shape_cast %get3A_323 : vector<1x1x128xf32> to vector<1x128xf32>
      %sub3A = arith.subi %get3A_81, %add3A_1 : i32
      %swap3A_325 = arith.constant 0 : index
      %swap3A_326 = arith.index_cast %sub3A : i32 to index
      %swap3A_327 = arith.constant 0 : index
      %swap3A_328 = vector.load %arg5[%swap3A_325, %swap3A_326, %swap3A_327] : memref<2x2048x128xf32, #tpu.memory_space<vmem>>, vector<1x1x128xf32>
      %swap3A_329 = vector.shape_cast %swap3A_328 : vector<1x1x128xf32> to vector<1x128xf32>
      %swap3A_330 = vector.shape_cast %get3A_324 : vector<1x128xf32> to vector<1x1x128xf32>
      tpu.vector_store %arg5[%swap3A_325, %swap3A_326, %swap3A_327], %swap3A_330 {strides = array<i32>} : memref<2x2048x128xf32, #tpu.memory_space<vmem>>, vector<1x1x128xf32>,
    } else {
    }
    %get3A_90 = arith.constant 9 : index
    %get3A_91 = memref.load %arg2[%get3A_90] : memref<16xi32, #tpu.memory_space<smem>>
    %ge3A_92 = arith.cmpi sge, %get3A_91, %add3A_1 : i32
    %add3A_93 = arith.constant 2048 : i32
    %add3A_94 = arith.addi %add3A_1, %add3A_93 : i32
    %lt3A_95 = arith.cmpi slt, %get3A_91, %add3A_94 : i32
    %and3A_96 = arith.andi %ge3A_92, %lt3A_95 : i1
    %convert_element_type3A_97 = arith.extui %and3A_96 : i1 to i32
    %cond3A_98 = arith.constant 0 : i32
    %cond3A_99 = arith.cmpi ne, %convert_element_type3A_97, %cond3A_98 : i32
    scf.if %cond3A_99 {
      %get3A_320 = arith.constant 0 : index
      %get3A_321 = arith.constant 9 : index
      %get3A_322 = arith.constant 0 : index
      %get3A_323 = vector.load %arg4[%get3A_320, %get3A_321, %get3A_322] : memref<2x16x128xf32, #tpu.memory_space<vmem>>, vector<1x1x128xf32>
      %get3A_324 = vector.shape_cast %get3A_323 : vector<1x1x128xf32> to vector<1x128xf32>
      %sub3A = arith.subi %get3A_91, %add3A_1 : i32
      %swap3A_325 = arith.constant 0 : index
      %swap3A_326 = arith.index_cast %sub3A : i32 to index
      %swap3A_327 = arith.constant 0 : index
      %swap3A_328 = vector.load %arg5[%swap3A_325, %swap3A_326, %swap3A_327] : memref<2x2048x128xf32, #tpu.memory_space<vmem>>, vector<1x1x128xf32>
      %swap3A_329 = vector.shape_cast %swap3A_328 : vector<1x1x128xf32> to vector<1x128xf32>
      %swap3A_330 = vector.shape_cast %get3A_324 : vector<1x128xf32> to vector<1x1x128xf32>
      tpu.vector_store %arg5[%swap3A_325, %swap3A_326, %swap3A_327], %swap3A_330 {strides = array<i32>} : memref<2x2048x128xf32, #tpu.memory_space<vmem>>, vector<1x1x128xf32>,
    } else {
    }
    %get3A_100 = arith.constant 10 : index
    %get3A_101 = memref.load %arg2[%get3A_100] : memref<16xi32, #tpu.memory_space<smem>>
    %ge3A_102 = arith.cmpi sge, %get3A_101, %add3A_1 : i32
    %add3A_103 = arith.constant 2048 : i32
    %add3A_104 = arith.addi %add3A_1, %add3A_103 : i32
    %lt3A_105 = arith.cmpi slt, %get3A_101, %add3A_104 : i32
    %and3A_106 = arith.andi %ge3A_102, %lt3A_105 : i1
    %convert_element_type3A_107 = arith.extui %and3A_106 : i1 to i32
    %cond3A_108 = arith.constant 0 : i32
    %cond3A_109 = arith.cmpi ne, %convert_element_type3A_107, %cond3A_108 : i32
    scf.if %cond3A_109 {
      %get3A_320 = arith.constant 0 : index
      %get3A_321 = arith.constant 10 : index
      %get3A_322 = arith.constant 0 : index
      %get3A_323 = vector.load %arg4[%get3A_320, %get3A_321, %get3A_322] : memref<2x16x128xf32, #tpu.memory_space<vmem>>, vector<1x1x128xf32>
      %get3A_324 = vector.shape_cast %get3A_323 : vector<1x1x128xf32> to vector<1x128xf32>
      %sub3A = arith.subi %get3A_101, %add3A_1 : i32
      %swap3A_325 = arith.constant 0 : index
      %swap3A_326 = arith.index_cast %sub3A : i32 to index
      %swap3A_327 = arith.constant 0 : index
      %swap3A_328 = vector.load %arg5[%swap3A_325, %swap3A_326, %swap3A_327] : memref<2x2048x128xf32, #tpu.memory_space<vmem>>, vector<1x1x128xf32>
      %swap3A_329 = vector.shape_cast %swap3A_328 : vector<1x1x128xf32> to vector<1x128xf32>
      %swap3A_330 = vector.shape_cast %get3A_324 : vector<1x128xf32> to vector<1x1x128xf32>
      tpu.vector_store %arg5[%swap3A_325, %swap3A_326, %swap3A_327], %swap3A_330 {strides = array<i32>} : memref<2x2048x128xf32, #tpu.memory_space<vmem>>, vector<1x1x128xf32>,
    } else {
    }
    %get3A_110 = arith.constant 11 : index
    %get3A_111 = memref.load %arg2[%get3A_110] : memref<16xi32, #tpu.memory_space<smem>>
    %ge3A_112 = arith.cmpi sge, %get3A_111, %add3A_1 : i32
    %add3A_113 = arith.constant 2048 : i32
    %add3A_114 = arith.addi %add3A_1, %add3A_113 : i32
    %lt3A_115 = arith.cmpi slt, %get3A_111, %add3A_114 : i32
    %and3A_116 = arith.andi %ge3A_112, %lt3A_115 : i1
    %convert_element_type3A_117 = arith.extui %and3A_116 : i1 to i32
    %cond3A_118 = arith.constant 0 : i32
    %cond3A_119 = arith.cmpi ne, %convert_element_type3A_117, %cond3A_118 : i32
    scf.if %cond3A_119 {
      %get3A_320 = arith.constant 0 : index
      %get3A_321 = arith.constant 11 : index
      %get3A_322 = arith.constant 0 : index
      %get3A_323 = vector.load %arg4[%get3A_320, %get3A_321, %get3A_322] : memref<2x16x128xf32, #tpu.memory_space<vmem>>, vector<1x1x128xf32>
      %get3A_324 = vector.shape_cast %get3A_323 : vector<1x1x128xf32> to vector<1x128xf32>
      %sub3A = arith.subi %get3A_111, %add3A_1 : i32
      %swap3A_325 = arith.constant 0 : index
      %swap3A_326 = arith.index_cast %sub3A : i32 to index
      %swap3A_327 = arith.constant 0 : index
      %swap3A_328 = vector.load %arg5[%swap3A_325, %swap3A_326, %swap3A_327] : memref<2x2048x128xf32, #tpu.memory_space<vmem>>, vector<1x1x128xf32>
      %swap3A_329 = vector.shape_cast %swap3A_328 : vector<1x1x128xf32> to vector<1x128xf32>
      %swap3A_330 = vector.shape_cast %get3A_324 : vector<1x128xf32> to vector<1x1x128xf32>
      tpu.vector_store %arg5[%swap3A_325, %swap3A_326, %swap3A_327], %swap3A_330 {strides = array<i32>} : memref<2x2048x128xf32, #tpu.memory_space<vmem>>, vector<1x1x128xf32>,
    } else {
    }
    %get3A_120 = arith.constant 12 : index
    %get3A_121 = memref.load %arg2[%get3A_120] : memref<16xi32, #tpu.memory_space<smem>>
    %ge3A_122 = arith.cmpi sge, %get3A_121, %add3A_1 : i32
    %add3A_123 = arith.constant 2048 : i32
    %add3A_124 = arith.addi %add3A_1, %add3A_123 : i32
    %lt3A_125 = arith.cmpi slt, %get3A_121, %add3A_124 : i32
    %and3A_126 = arith.andi %ge3A_122, %lt3A_125 : i1
    %convert_element_type3A_127 = arith.extui %and3A_126 : i1 to i32
    %cond3A_128 = arith.constant 0 : i32
    %cond3A_129 = arith.cmpi ne, %convert_element_type3A_127, %cond3A_128 : i32
    scf.if %cond3A_129 {
      %get3A_320 = arith.constant 0 : index
      %get3A_321 = arith.constant 12 : index
      %get3A_322 = arith.constant 0 : index
      %get3A_323 = vector.load %arg4[%get3A_320, %get3A_321, %get3A_322] : memref<2x16x128xf32, #tpu.memory_space<vmem>>, vector<1x1x128xf32>
      %get3A_324 = vector.shape_cast %get3A_323 : vector<1x1x128xf32> to vector<1x128xf32>
      %sub3A = arith.subi %get3A_121, %add3A_1 : i32
      %swap3A_325 = arith.constant 0 : index
      %swap3A_326 = arith.index_cast %sub3A : i32 to index
      %swap3A_327 = arith.constant 0 : index
      %swap3A_328 = vector.load %arg5[%swap3A_325, %swap3A_326, %swap3A_327] : memref<2x2048x128xf32, #tpu.memory_space<vmem>>, vector<1x1x128xf32>
      %swap3A_329 = vector.shape_cast %swap3A_328 : vector<1x1x128xf32> to vector<1x128xf32>
      %swap3A_330 = vector.shape_cast %get3A_324 : vector<1x128xf32> to vector<1x1x128xf32>
      tpu.vector_store %arg5[%swap3A_325, %swap3A_326, %swap3A_327], %swap3A_330 {strides = array<i32>} : memref<2x2048x128xf32, #tpu.memory_space<vmem>>, vector<1x1x128xf32>,
    } else {
    }
    %get3A_130 = arith.constant 13 : index
    %get3A_131 = memref.load %arg2[%get3A_130] : memref<16xi32, #tpu.memory_space<smem>>
    %ge3A_132 = arith.cmpi sge, %get3A_131, %add3A_1 : i32
    %add3A_133 = arith.constant 2048 : i32
    %add3A_134 = arith.addi %add3A_1, %add3A_133 : i32
    %lt3A_135 = arith.cmpi slt, %get3A_131, %add3A_134 : i32
    %and3A_136 = arith.andi %ge3A_132, %lt3A_135 : i1
    %convert_element_type3A_137 = arith.extui %and3A_136 : i1 to i32
    %cond3A_138 = arith.constant 0 : i32
    %cond3A_139 = arith.cmpi ne, %convert_element_type3A_137, %cond3A_138 : i32
    scf.if %cond3A_139 {
      %get3A_320 = arith.constant 0 : index
      %get3A_321 = arith.constant 13 : index
      %get3A_322 = arith.constant 0 : index
      %get3A_323 = vector.load %arg4[%get3A_320, %get3A_321, %get3A_322] : memref<2x16x128xf32, #tpu.memory_space<vmem>>, vector<1x1x128xf32>
      %get3A_324 = vector.shape_cast %get3A_323 : vector<1x1x128xf32> to vector<1x128xf32>
      %sub3A = arith.subi %get3A_131, %add3A_1 : i32
      %swap3A_325 = arith.constant 0 : index
      %swap3A_326 = arith.index_cast %sub3A : i32 to index
      %swap3A_327 = arith.constant 0 : index
      %swap3A_328 = vector.load %arg5[%swap3A_325, %swap3A_326, %swap3A_327] : memref<2x2048x128xf32, #tpu.memory_space<vmem>>, vector<1x1x128xf32>
      %swap3A_329 = vector.shape_cast %swap3A_328 : vector<1x1x128xf32> to vector<1x128xf32>
      %swap3A_330 = vector.shape_cast %get3A_324 : vector<1x128xf32> to vector<1x1x128xf32>
      tpu.vector_store %arg5[%swap3A_325, %swap3A_326, %swap3A_327], %swap3A_330 {strides = array<i32>} : memref<2x2048x128xf32, #tpu.memory_space<vmem>>, vector<1x1x128xf32>,
    } else {
    }
    %get3A_140 = arith.constant 14 : index
    %get3A_141 = memref.load %arg2[%get3A_140] : memref<16xi32, #tpu.memory_space<smem>>
    %ge3A_142 = arith.cmpi sge, %get3A_141, %add3A_1 : i32
    %add3A_143 = arith.constant 2048 : i32
    %add3A_144 = arith.addi %add3A_1, %add3A_143 : i32
    %lt3A_145 = arith.cmpi slt, %get3A_141, %add3A_144 : i32
    %and3A_146 = arith.andi %ge3A_142, %lt3A_145 : i1
    %convert_element_type3A_147 = arith.extui %and3A_146 : i1 to i32
    %cond3A_148 = arith.constant 0 : i32
    %cond3A_149 = arith.cmpi ne, %convert_element_type3A_147, %cond3A_148 : i32
    scf.if %cond3A_149 {
      %get3A_320 = arith.constant 0 : index
      %get3A_321 = arith.constant 14 : index
      %get3A_322 = arith.constant 0 : index
      %get3A_323 = vector.load %arg4[%get3A_320, %get3A_321, %get3A_322] : memref<2x16x128xf32, #tpu.memory_space<vmem>>, vector<1x1x128xf32>
      %get3A_324 = vector.shape_cast %get3A_323 : vector<1x1x128xf32> to vector<1x128xf32>
      %sub3A = arith.subi %get3A_141, %add3A_1 : i32
      %swap3A_325 = arith.constant 0 : index
      %swap3A_326 = arith.index_cast %sub3A : i32 to index
      %swap3A_327 = arith.constant 0 : index
      %swap3A_328 = vector.load %arg5[%swap3A_325, %swap3A_326, %swap3A_327] : memref<2x2048x128xf32, #tpu.memory_space<vmem>>, vector<1x1x128xf32>
      %swap3A_329 = vector.shape_cast %swap3A_328 : vector<1x1x128xf32> to vector<1x128xf32>
      %swap3A_330 = vector.shape_cast %get3A_324 : vector<1x128xf32> to vector<1x1x128xf32>
      tpu.vector_store %arg5[%swap3A_325, %swap3A_326, %swap3A_327], %swap3A_330 {strides = array<i32>} : memref<2x2048x128xf32, #tpu.memory_space<vmem>>, vector<1x1x128xf32>,
    } else {
    }
    %get3A_150 = arith.constant 15 : index
    %get3A_151 = memref.load %arg2[%get3A_150] : memref<16xi32, #tpu.memory_space<smem>>
    %ge3A_152 = arith.cmpi sge, %get3A_151, %add3A_1 : i32
    %add3A_153 = arith.constant 2048 : i32
    %add3A_154 = arith.addi %add3A_1, %add3A_153 : i32
    %lt3A_155 = arith.cmpi slt, %get3A_151, %add3A_154 : i32
    %and3A_156 = arith.andi %ge3A_152, %lt3A_155 : i1
    %convert_element_type3A_157 = arith.extui %and3A_156 : i1 to i32
    %cond3A_158 = arith.constant 0 : i32
    %cond3A_159 = arith.cmpi ne, %convert_element_type3A_157, %cond3A_158 : i32
    scf.if %cond3A_159 {
      %get3A_320 = arith.constant 0 : index
      %get3A_321 = arith.constant 15 : index
      %get3A_322 = arith.constant 0 : index
      %get3A_323 = vector.load %arg4[%get3A_320, %get3A_321, %get3A_322] : memref<2x16x128xf32, #tpu.memory_space<vmem>>, vector<1x1x128xf32>
      %get3A_324 = vector.shape_cast %get3A_323 : vector<1x1x128xf32> to vector<1x128xf32>
      %sub3A = arith.subi %get3A_151, %add3A_1 : i32
      %swap3A_325 = arith.constant 0 : index
      %swap3A_326 = arith.index_cast %sub3A : i32 to index
      %swap3A_327 = arith.constant 0 : index
      %swap3A_328 = vector.load %arg5[%swap3A_325, %swap3A_326, %swap3A_327] : memref<2x2048x128xf32, #tpu.memory_space<vmem>>, vector<1x1x128xf32>
      %swap3A_329 = vector.shape_cast %swap3A_328 : vector<1x1x128xf32> to vector<1x128xf32>
      %swap3A_330 = vector.shape_cast %get3A_324 : vector<1x128xf32> to vector<1x1x128xf32>
      tpu.vector_store %arg5[%swap3A_325, %swap3A_326, %swap3A_327], %swap3A_330 {strides = array<i32>} : memref<2x2048x128xf32, #tpu.memory_space<vmem>>, vector<1x1x128xf32>,
    } else {
    }
    %get3A_160 = arith.constant 0 : index
    %get3A_161 = memref.load %arg2[%get3A_160] : memref<16xi32, #tpu.memory_space<smem>>
    %ge3A_162 = arith.cmpi sge, %get3A_161, %add3A_1 : i32
    %add3A_163 = arith.constant 2048 : i32
    %add3A_164 = arith.addi %add3A_1, %add3A_163 : i32
    %lt3A_165 = arith.cmpi slt, %get3A_161, %add3A_164 : i32
    %and3A_166 = arith.andi %ge3A_162, %lt3A_165 : i1
    %convert_element_type3A_167 = arith.extui %and3A_166 : i1 to i32
    %cond3A_168 = arith.constant 0 : i32
    %cond3A_169 = arith.cmpi ne, %convert_element_type3A_167, %cond3A_168 : i32
    scf.if %cond3A_169 {
      %get3A_320 = arith.constant 1 : index
      %get3A_321 = arith.constant 0 : index
      %get3A_322 = arith.constant 0 : index
      %get3A_323 = vector.load %arg4[%get3A_320, %get3A_321, %get3A_322] : memref<2x16x128xf32, #tpu.memory_space<vmem>>, vector<1x1x128xf32>
      %get3A_324 = vector.shape_cast %get3A_323 : vector<1x1x128xf32> to vector<1x128xf32>
      %sub3A = arith.subi %get3A_161, %add3A_1 : i32
      %swap3A_325 = arith.constant 1 : index
      %swap3A_326 = arith.index_cast %sub3A : i32 to index
      %swap3A_327 = arith.constant 0 : index
      %swap3A_328 = vector.load %arg5[%swap3A_325, %swap3A_326, %swap3A_327] : memref<2x2048x128xf32, #tpu.memory_space<vmem>>, vector<1x1x128xf32>
      %swap3A_329 = vector.shape_cast %swap3A_328 : vector<1x1x128xf32> to vector<1x128xf32>
      %swap3A_330 = vector.shape_cast %get3A_324 : vector<1x128xf32> to vector<1x1x128xf32>
      tpu.vector_store %arg5[%swap3A_325, %swap3A_326, %swap3A_327], %swap3A_330 {strides = array<i32>} : memref<2x2048x128xf32, #tpu.memory_space<vmem>>, vector<1x1x128xf32>,
    } else {
    }
    %get3A_170 = arith.constant 1 : index
    %get3A_171 = memref.load %arg2[%get3A_170] : memref<16xi32, #tpu.memory_space<smem>>
    %ge3A_172 = arith.cmpi sge, %get3A_171, %add3A_1 : i32
    %add3A_173 = arith.constant 2048 : i32
    %add3A_174 = arith.addi %add3A_1, %add3A_173 : i32
    %lt3A_175 = arith.cmpi slt, %get3A_171, %add3A_174 : i32
    %and3A_176 = arith.andi %ge3A_172, %lt3A_175 : i1
    %convert_element_type3A_177 = arith.extui %and3A_176 : i1 to i32
    %cond3A_178 = arith.constant 0 : i32
    %cond3A_179 = arith.cmpi ne, %convert_element_type3A_177, %cond3A_178 : i32
    scf.if %cond3A_179 {
      %get3A_320 = arith.constant 1 : index
      %get3A_321 = arith.constant 1 : index
      %get3A_322 = arith.constant 0 : index
      %get3A_323 = vector.load %arg4[%get3A_320, %get3A_321, %get3A_322] : memref<2x16x128xf32, #tpu.memory_space<vmem>>, vector<1x1x128xf32>
      %get3A_324 = vector.shape_cast %get3A_323 : vector<1x1x128xf32> to vector<1x128xf32>
      %sub3A = arith.subi %get3A_171, %add3A_1 : i32
      %swap3A_325 = arith.constant 1 : index
      %swap3A_326 = arith.index_cast %sub3A : i32 to index
      %swap3A_327 = arith.constant 0 : index
      %swap3A_328 = vector.load %arg5[%swap3A_325, %swap3A_326, %swap3A_327] : memref<2x2048x128xf32, #tpu.memory_space<vmem>>, vector<1x1x128xf32>
      %swap3A_329 = vector.shape_cast %swap3A_328 : vector<1x1x128xf32> to vector<1x128xf32>
      %swap3A_330 = vector.shape_cast %get3A_324 : vector<1x128xf32> to vector<1x1x128xf32>
      tpu.vector_store %arg5[%swap3A_325, %swap3A_326, %swap3A_327], %swap3A_330 {strides = array<i32>} : memref<2x2048x128xf32, #tpu.memory_space<vmem>>, vector<1x1x128xf32>,
    } else {
    }
    %get3A_180 = arith.constant 2 : index
    %get3A_181 = memref.load %arg2[%get3A_180] : memref<16xi32, #tpu.memory_space<smem>>
    %ge3A_182 = arith.cmpi sge, %get3A_181, %add3A_1 : i32
    %add3A_183 = arith.constant 2048 : i32
    %add3A_184 = arith.addi %add3A_1, %add3A_183 : i32
    %lt3A_185 = arith.cmpi slt, %get3A_181, %add3A_184 : i32
    %and3A_186 = arith.andi %ge3A_182, %lt3A_185 : i1
    %convert_element_type3A_187 = arith.extui %and3A_186 : i1 to i32
    %cond3A_188 = arith.constant 0 : i32
    %cond3A_189 = arith.cmpi ne, %convert_element_type3A_187, %cond3A_188 : i32
    scf.if %cond3A_189 {
      %get3A_320 = arith.constant 1 : index
      %get3A_321 = arith.constant 2 : index
      %get3A_322 = arith.constant 0 : index
      %get3A_323 = vector.load %arg4[%get3A_320, %get3A_321, %get3A_322] : memref<2x16x128xf32, #tpu.memory_space<vmem>>, vector<1x1x128xf32>
      %get3A_324 = vector.shape_cast %get3A_323 : vector<1x1x128xf32> to vector<1x128xf32>
      %sub3A = arith.subi %get3A_181, %add3A_1 : i32
      %swap3A_325 = arith.constant 1 : index
      %swap3A_326 = arith.index_cast %sub3A : i32 to index
      %swap3A_327 = arith.constant 0 : index
      %swap3A_328 = vector.load %arg5[%swap3A_325, %swap3A_326, %swap3A_327] : memref<2x2048x128xf32, #tpu.memory_space<vmem>>, vector<1x1x128xf32>
      %swap3A_329 = vector.shape_cast %swap3A_328 : vector<1x1x128xf32> to vector<1x128xf32>
      %swap3A_330 = vector.shape_cast %get3A_324 : vector<1x128xf32> to vector<1x1x128xf32>
      tpu.vector_store %arg5[%swap3A_325, %swap3A_326, %swap3A_327], %swap3A_330 {strides = array<i32>} : memref<2x2048x128xf32, #tpu.memory_space<vmem>>, vector<1x1x128xf32>,
    } else {
    }
    %get3A_190 = arith.constant 3 : index
    %get3A_191 = memref.load %arg2[%get3A_190] : memref<16xi32, #tpu.memory_space<smem>>
    %ge3A_192 = arith.cmpi sge, %get3A_191, %add3A_1 : i32
    %add3A_193 = arith.constant 2048 : i32
    %add3A_194 = arith.addi %add3A_1, %add3A_193 : i32
    %lt3A_195 = arith.cmpi slt, %get3A_191, %add3A_194 : i32
    %and3A_196 = arith.andi %ge3A_192, %lt3A_195 : i1
    %convert_element_type3A_197 = arith.extui %and3A_196 : i1 to i32
    %cond3A_198 = arith.constant 0 : i32
    %cond3A_199 = arith.cmpi ne, %convert_element_type3A_197, %cond3A_198 : i32
    scf.if %cond3A_199 {
      %get3A_320 = arith.constant 1 : index
      %get3A_321 = arith.constant 3 : index
      %get3A_322 = arith.constant 0 : index
      %get3A_323 = vector.load %arg4[%get3A_320, %get3A_321, %get3A_322] : memref<2x16x128xf32, #tpu.memory_space<vmem>>, vector<1x1x128xf32>
      %get3A_324 = vector.shape_cast %get3A_323 : vector<1x1x128xf32> to vector<1x128xf32>
      %sub3A = arith.subi %get3A_191, %add3A_1 : i32
      %swap3A_325 = arith.constant 1 : index
      %swap3A_326 = arith.index_cast %sub3A : i32 to index
      %swap3A_327 = arith.constant 0 : index
      %swap3A_328 = vector.load %arg5[%swap3A_325, %swap3A_326, %swap3A_327] : memref<2x2048x128xf32, #tpu.memory_space<vmem>>, vector<1x1x128xf32>
      %swap3A_329 = vector.shape_cast %swap3A_328 : vector<1x1x128xf32> to vector<1x128xf32>
      %swap3A_330 = vector.shape_cast %get3A_324 : vector<1x128xf32> to vector<1x1x128xf32>
      tpu.vector_store %arg5[%swap3A_325, %swap3A_326, %swap3A_327], %swap3A_330 {strides = array<i32>} : memref<2x2048x128xf32, #tpu.memory_space<vmem>>, vector<1x1x128xf32>,
    } else {
    }
    %get3A_200 = arith.constant 4 : index
    %get3A_201 = memref.load %arg2[%get3A_200] : memref<16xi32, #tpu.memory_space<smem>>
    %ge3A_202 = arith.cmpi sge, %get3A_201, %add3A_1 : i32
    %add3A_203 = arith.constant 2048 : i32
    %add3A_204 = arith.addi %add3A_1, %add3A_203 : i32
    %lt3A_205 = arith.cmpi slt, %get3A_201, %add3A_204 : i32
    %and3A_206 = arith.andi %ge3A_202, %lt3A_205 : i1
    %convert_element_type3A_207 = arith.extui %and3A_206 : i1 to i32
    %cond3A_208 = arith.constant 0 : i32
    %cond3A_209 = arith.cmpi ne, %convert_element_type3A_207, %cond3A_208 : i32
    scf.if %cond3A_209 {
      %get3A_320 = arith.constant 1 : index
      %get3A_321 = arith.constant 4 : index
      %get3A_322 = arith.constant 0 : index
      %get3A_323 = vector.load %arg4[%get3A_320, %get3A_321, %get3A_322] : memref<2x16x128xf32, #tpu.memory_space<vmem>>, vector<1x1x128xf32>
      %get3A_324 = vector.shape_cast %get3A_323 : vector<1x1x128xf32> to vector<1x128xf32>
      %sub3A = arith.subi %get3A_201, %add3A_1 : i32
      %swap3A_325 = arith.constant 1 : index
      %swap3A_326 = arith.index_cast %sub3A : i32 to index
      %swap3A_327 = arith.constant 0 : index
      %swap3A_328 = vector.load %arg5[%swap3A_325, %swap3A_326, %swap3A_327] : memref<2x2048x128xf32, #tpu.memory_space<vmem>>, vector<1x1x128xf32>
      %swap3A_329 = vector.shape_cast %swap3A_328 : vector<1x1x128xf32> to vector<1x128xf32>
      %swap3A_330 = vector.shape_cast %get3A_324 : vector<1x128xf32> to vector<1x1x128xf32>
      tpu.vector_store %arg5[%swap3A_325, %swap3A_326, %swap3A_327], %swap3A_330 {strides = array<i32>} : memref<2x2048x128xf32, #tpu.memory_space<vmem>>, vector<1x1x128xf32>,
    } else {
    }
    %get3A_210 = arith.constant 5 : index
    %get3A_211 = memref.load %arg2[%get3A_210] : memref<16xi32, #tpu.memory_space<smem>>
    %ge3A_212 = arith.cmpi sge, %get3A_211, %add3A_1 : i32
    %add3A_213 = arith.constant 2048 : i32
    %add3A_214 = arith.addi %add3A_1, %add3A_213 : i32
    %lt3A_215 = arith.cmpi slt, %get3A_211, %add3A_214 : i32
    %and3A_216 = arith.andi %ge3A_212, %lt3A_215 : i1
    %convert_element_type3A_217 = arith.extui %and3A_216 : i1 to i32
    %cond3A_218 = arith.constant 0 : i32
    %cond3A_219 = arith.cmpi ne, %convert_element_type3A_217, %cond3A_218 : i32
    scf.if %cond3A_219 {
      %get3A_320 = arith.constant 1 : index
      %get3A_321 = arith.constant 5 : index
      %get3A_322 = arith.constant 0 : index
      %get3A_323 = vector.load %arg4[%get3A_320, %get3A_321, %get3A_322] : memref<2x16x128xf32, #tpu.memory_space<vmem>>, vector<1x1x128xf32>
      %get3A_324 = vector.shape_cast %get3A_323 : vector<1x1x128xf32> to vector<1x128xf32>
      %sub3A = arith.subi %get3A_211, %add3A_1 : i32
      %swap3A_325 = arith.constant 1 : index
      %swap3A_326 = arith.index_cast %sub3A : i32 to index
      %swap3A_327 = arith.constant 0 : index
      %swap3A_328 = vector.load %arg5[%swap3A_325, %swap3A_326, %swap3A_327] : memref<2x2048x128xf32, #tpu.memory_space<vmem>>, vector<1x1x128xf32>
      %swap3A_329 = vector.shape_cast %swap3A_328 : vector<1x1x128xf32> to vector<1x128xf32>
      %swap3A_330 = vector.shape_cast %get3A_324 : vector<1x128xf32> to vector<1x1x128xf32>
      tpu.vector_store %arg5[%swap3A_325, %swap3A_326, %swap3A_327], %swap3A_330 {strides = array<i32>} : memref<2x2048x128xf32, #tpu.memory_space<vmem>>, vector<1x1x128xf32>,
    } else {
    }
    %get3A_220 = arith.constant 6 : index
    %get3A_221 = memref.load %arg2[%get3A_220] : memref<16xi32, #tpu.memory_space<smem>>
    %ge3A_222 = arith.cmpi sge, %get3A_221, %add3A_1 : i32
    %add3A_223 = arith.constant 2048 : i32
    %add3A_224 = arith.addi %add3A_1, %add3A_223 : i32
    %lt3A_225 = arith.cmpi slt, %get3A_221, %add3A_224 : i32
    %and3A_226 = arith.andi %ge3A_222, %lt3A_225 : i1
    %convert_element_type3A_227 = arith.extui %and3A_226 : i1 to i32
    %cond3A_228 = arith.constant 0 : i32
    %cond3A_229 = arith.cmpi ne, %convert_element_type3A_227, %cond3A_228 : i32
    scf.if %cond3A_229 {
      %get3A_320 = arith.constant 1 : index
      %get3A_321 = arith.constant 6 : index
      %get3A_322 = arith.constant 0 : index
      %get3A_323 = vector.load %arg4[%get3A_320, %get3A_321, %get3A_322] : memref<2x16x128xf32, #tpu.memory_space<vmem>>, vector<1x1x128xf32>
      %get3A_324 = vector.shape_cast %get3A_323 : vector<1x1x128xf32> to vector<1x128xf32>
      %sub3A = arith.subi %get3A_221, %add3A_1 : i32
      %swap3A_325 = arith.constant 1 : index
      %swap3A_326 = arith.index_cast %sub3A : i32 to index
      %swap3A_327 = arith.constant 0 : index
      %swap3A_328 = vector.load %arg5[%swap3A_325, %swap3A_326, %swap3A_327] : memref<2x2048x128xf32, #tpu.memory_space<vmem>>, vector<1x1x128xf32>
      %swap3A_329 = vector.shape_cast %swap3A_328 : vector<1x1x128xf32> to vector<1x128xf32>
      %swap3A_330 = vector.shape_cast %get3A_324 : vector<1x128xf32> to vector<1x1x128xf32>
      tpu.vector_store %arg5[%swap3A_325, %swap3A_326, %swap3A_327], %swap3A_330 {strides = array<i32>} : memref<2x2048x128xf32, #tpu.memory_space<vmem>>, vector<1x1x128xf32>,
    } else {
    }
    %get3A_230 = arith.constant 7 : index
    %get3A_231 = memref.load %arg2[%get3A_230] : memref<16xi32, #tpu.memory_space<smem>>
    %ge3A_232 = arith.cmpi sge, %get3A_231, %add3A_1 : i32
    %add3A_233 = arith.constant 2048 : i32
    %add3A_234 = arith.addi %add3A_1, %add3A_233 : i32
    %lt3A_235 = arith.cmpi slt, %get3A_231, %add3A_234 : i32
    %and3A_236 = arith.andi %ge3A_232, %lt3A_235 : i1
    %convert_element_type3A_237 = arith.extui %and3A_236 : i1 to i32
    %cond3A_238 = arith.constant 0 : i32
    %cond3A_239 = arith.cmpi ne, %convert_element_type3A_237, %cond3A_238 : i32
    scf.if %cond3A_239 {
      %get3A_320 = arith.constant 1 : index
      %get3A_321 = arith.constant 7 : index
      %get3A_322 = arith.constant 0 : index
      %get3A_323 = vector.load %arg4[%get3A_320, %get3A_321, %get3A_322] : memref<2x16x128xf32, #tpu.memory_space<vmem>>, vector<1x1x128xf32>
      %get3A_324 = vector.shape_cast %get3A_323 : vector<1x1x128xf32> to vector<1x128xf32>
      %sub3A = arith.subi %get3A_231, %add3A_1 : i32
      %swap3A_325 = arith.constant 1 : index
      %swap3A_326 = arith.index_cast %sub3A : i32 to index
      %swap3A_327 = arith.constant 0 : index
      %swap3A_328 = vector.load %arg5[%swap3A_325, %swap3A_326, %swap3A_327] : memref<2x2048x128xf32, #tpu.memory_space<vmem>>, vector<1x1x128xf32>
      %swap3A_329 = vector.shape_cast %swap3A_328 : vector<1x1x128xf32> to vector<1x128xf32>
      %swap3A_330 = vector.shape_cast %get3A_324 : vector<1x128xf32> to vector<1x1x128xf32>
      tpu.vector_store %arg5[%swap3A_325, %swap3A_326, %swap3A_327], %swap3A_330 {strides = array<i32>} : memref<2x2048x128xf32, #tpu.memory_space<vmem>>, vector<1x1x128xf32>,
    } else {
    }
    %get3A_240 = arith.constant 8 : index
    %get3A_241 = memref.load %arg2[%get3A_240] : memref<16xi32, #tpu.memory_space<smem>>
    %ge3A_242 = arith.cmpi sge, %get3A_241, %add3A_1 : i32
    %add3A_243 = arith.constant 2048 : i32
    %add3A_244 = arith.addi %add3A_1, %add3A_243 : i32
    %lt3A_245 = arith.cmpi slt, %get3A_241, %add3A_244 : i32
    %and3A_246 = arith.andi %ge3A_242, %lt3A_245 : i1
    %convert_element_type3A_247 = arith.extui %and3A_246 : i1 to i32
    %cond3A_248 = arith.constant 0 : i32
    %cond3A_249 = arith.cmpi ne, %convert_element_type3A_247, %cond3A_248 : i32
    scf.if %cond3A_249 {
      %get3A_320 = arith.constant 1 : index
      %get3A_321 = arith.constant 8 : index
      %get3A_322 = arith.constant 0 : index
      %get3A_323 = vector.load %arg4[%get3A_320, %get3A_321, %get3A_322] : memref<2x16x128xf32, #tpu.memory_space<vmem>>, vector<1x1x128xf32>
      %get3A_324 = vector.shape_cast %get3A_323 : vector<1x1x128xf32> to vector<1x128xf32>
      %sub3A = arith.subi %get3A_241, %add3A_1 : i32
      %swap3A_325 = arith.constant 1 : index
      %swap3A_326 = arith.index_cast %sub3A : i32 to index
      %swap3A_327 = arith.constant 0 : index
      %swap3A_328 = vector.load %arg5[%swap3A_325, %swap3A_326, %swap3A_327] : memref<2x2048x128xf32, #tpu.memory_space<vmem>>, vector<1x1x128xf32>
      %swap3A_329 = vector.shape_cast %swap3A_328 : vector<1x1x128xf32> to vector<1x128xf32>
      %swap3A_330 = vector.shape_cast %get3A_324 : vector<1x128xf32> to vector<1x1x128xf32>
      tpu.vector_store %arg5[%swap3A_325, %swap3A_326, %swap3A_327], %swap3A_330 {strides = array<i32>} : memref<2x2048x128xf32, #tpu.memory_space<vmem>>, vector<1x1x128xf32>,
    } else {
    }
    %get3A_250 = arith.constant 9 : index
    %get3A_251 = memref.load %arg2[%get3A_250] : memref<16xi32, #tpu.memory_space<smem>>
    %ge3A_252 = arith.cmpi sge, %get3A_251, %add3A_1 : i32
    %add3A_253 = arith.constant 2048 : i32
    %add3A_254 = arith.addi %add3A_1, %add3A_253 : i32
    %lt3A_255 = arith.cmpi slt, %get3A_251, %add3A_254 : i32
    %and3A_256 = arith.andi %ge3A_252, %lt3A_255 : i1
    %convert_element_type3A_257 = arith.extui %and3A_256 : i1 to i32
    %cond3A_258 = arith.constant 0 : i32
    %cond3A_259 = arith.cmpi ne, %convert_element_type3A_257, %cond3A_258 : i32
    scf.if %cond3A_259 {
      %get3A_320 = arith.constant 1 : index
      %get3A_321 = arith.constant 9 : index
      %get3A_322 = arith.constant 0 : index
      %get3A_323 = vector.load %arg4[%get3A_320, %get3A_321, %get3A_322] : memref<2x16x128xf32, #tpu.memory_space<vmem>>, vector<1x1x128xf32>
      %get3A_324 = vector.shape_cast %get3A_323 : vector<1x1x128xf32> to vector<1x128xf32>
      %sub3A = arith.subi %get3A_251, %add3A_1 : i32
      %swap3A_325 = arith.constant 1 : index
      %swap3A_326 = arith.index_cast %sub3A : i32 to index
      %swap3A_327 = arith.constant 0 : index
      %swap3A_328 = vector.load %arg5[%swap3A_325, %swap3A_326, %swap3A_327] : memref<2x2048x128xf32, #tpu.memory_space<vmem>>, vector<1x1x128xf32>
      %swap3A_329 = vector.shape_cast %swap3A_328 : vector<1x1x128xf32> to vector<1x128xf32>
      %swap3A_330 = vector.shape_cast %get3A_324 : vector<1x128xf32> to vector<1x1x128xf32>
      tpu.vector_store %arg5[%swap3A_325, %swap3A_326, %swap3A_327], %swap3A_330 {strides = array<i32>} : memref<2x2048x128xf32, #tpu.memory_space<vmem>>, vector<1x1x128xf32>,
    } else {
    }
    %get3A_260 = arith.constant 10 : index
    %get3A_261 = memref.load %arg2[%get3A_260] : memref<16xi32, #tpu.memory_space<smem>>
    %ge3A_262 = arith.cmpi sge, %get3A_261, %add3A_1 : i32
    %add3A_263 = arith.constant 2048 : i32
    %add3A_264 = arith.addi %add3A_1, %add3A_263 : i32
    %lt3A_265 = arith.cmpi slt, %get3A_261, %add3A_264 : i32
    %and3A_266 = arith.andi %ge3A_262, %lt3A_265 : i1
    %convert_element_type3A_267 = arith.extui %and3A_266 : i1 to i32
    %cond3A_268 = arith.constant 0 : i32
    %cond3A_269 = arith.cmpi ne, %convert_element_type3A_267, %cond3A_268 : i32
    scf.if %cond3A_269 {
      %get3A_320 = arith.constant 1 : index
      %get3A_321 = arith.constant 10 : index
      %get3A_322 = arith.constant 0 : index
      %get3A_323 = vector.load %arg4[%get3A_320, %get3A_321, %get3A_322] : memref<2x16x128xf32, #tpu.memory_space<vmem>>, vector<1x1x128xf32>
      %get3A_324 = vector.shape_cast %get3A_323 : vector<1x1x128xf32> to vector<1x128xf32>
      %sub3A = arith.subi %get3A_261, %add3A_1 : i32
      %swap3A_325 = arith.constant 1 : index
      %swap3A_326 = arith.index_cast %sub3A : i32 to index
      %swap3A_327 = arith.constant 0 : index
      %swap3A_328 = vector.load %arg5[%swap3A_325, %swap3A_326, %swap3A_327] : memref<2x2048x128xf32, #tpu.memory_space<vmem>>, vector<1x1x128xf32>
      %swap3A_329 = vector.shape_cast %swap3A_328 : vector<1x1x128xf32> to vector<1x128xf32>
      %swap3A_330 = vector.shape_cast %get3A_324 : vector<1x128xf32> to vector<1x1x128xf32>
      tpu.vector_store %arg5[%swap3A_325, %swap3A_326, %swap3A_327], %swap3A_330 {strides = array<i32>} : memref<2x2048x128xf32, #tpu.memory_space<vmem>>, vector<1x1x128xf32>,
    } else {
    }
    %get3A_270 = arith.constant 11 : index
    %get3A_271 = memref.load %arg2[%get3A_270] : memref<16xi32, #tpu.memory_space<smem>>
    %ge3A_272 = arith.cmpi sge, %get3A_271, %add3A_1 : i32
    %add3A_273 = arith.constant 2048 : i32
    %add3A_274 = arith.addi %add3A_1, %add3A_273 : i32
    %lt3A_275 = arith.cmpi slt, %get3A_271, %add3A_274 : i32
    %and3A_276 = arith.andi %ge3A_272, %lt3A_275 : i1
    %convert_element_type3A_277 = arith.extui %and3A_276 : i1 to i32
    %cond3A_278 = arith.constant 0 : i32
    %cond3A_279 = arith.cmpi ne, %convert_element_type3A_277, %cond3A_278 : i32
    scf.if %cond3A_279 {
      %get3A_320 = arith.constant 1 : index
      %get3A_321 = arith.constant 11 : index
      %get3A_322 = arith.constant 0 : index
      %get3A_323 = vector.load %arg4[%get3A_320, %get3A_321, %get3A_322] : memref<2x16x128xf32, #tpu.memory_space<vmem>>, vector<1x1x128xf32>
      %get3A_324 = vector.shape_cast %get3A_323 : vector<1x1x128xf32> to vector<1x128xf32>
      %sub3A = arith.subi %get3A_271, %add3A_1 : i32
      %swap3A_325 = arith.constant 1 : index
      %swap3A_326 = arith.index_cast %sub3A : i32 to index
      %swap3A_327 = arith.constant 0 : index
      %swap3A_328 = vector.load %arg5[%swap3A_325, %swap3A_326, %swap3A_327] : memref<2x2048x128xf32, #tpu.memory_space<vmem>>, vector<1x1x128xf32>
      %swap3A_329 = vector.shape_cast %swap3A_328 : vector<1x1x128xf32> to vector<1x128xf32>
      %swap3A_330 = vector.shape_cast %get3A_324 : vector<1x128xf32> to vector<1x1x128xf32>
      tpu.vector_store %arg5[%swap3A_325, %swap3A_326, %swap3A_327], %swap3A_330 {strides = array<i32>} : memref<2x2048x128xf32, #tpu.memory_space<vmem>>, vector<1x1x128xf32>,
    } else {
    }
    %get3A_280 = arith.constant 12 : index
    %get3A_281 = memref.load %arg2[%get3A_280] : memref<16xi32, #tpu.memory_space<smem>>
    %ge3A_282 = arith.cmpi sge, %get3A_281, %add3A_1 : i32
    %add3A_283 = arith.constant 2048 : i32
    %add3A_284 = arith.addi %add3A_1, %add3A_283 : i32
    %lt3A_285 = arith.cmpi slt, %get3A_281, %add3A_284 : i32
    %and3A_286 = arith.andi %ge3A_282, %lt3A_285 : i1
    %convert_element_type3A_287 = arith.extui %and3A_286 : i1 to i32
    %cond3A_288 = arith.constant 0 : i32
    %cond3A_289 = arith.cmpi ne, %convert_element_type3A_287, %cond3A_288 : i32
    scf.if %cond3A_289 {
      %get3A_320 = arith.constant 1 : index
      %get3A_321 = arith.constant 12 : index
      %get3A_322 = arith.constant 0 : index
      %get3A_323 = vector.load %arg4[%get3A_320, %get3A_321, %get3A_322] : memref<2x16x128xf32, #tpu.memory_space<vmem>>, vector<1x1x128xf32>
      %get3A_324 = vector.shape_cast %get3A_323 : vector<1x1x128xf32> to vector<1x128xf32>
      %sub3A = arith.subi %get3A_281, %add3A_1 : i32
      %swap3A_325 = arith.constant 1 : index
      %swap3A_326 = arith.index_cast %sub3A : i32 to index
      %swap3A_327 = arith.constant 0 : index
      %swap3A_328 = vector.load %arg5[%swap3A_325, %swap3A_326, %swap3A_327] : memref<2x2048x128xf32, #tpu.memory_space<vmem>>, vector<1x1x128xf32>
      %swap3A_329 = vector.shape_cast %swap3A_328 : vector<1x1x128xf32> to vector<1x128xf32>
      %swap3A_330 = vector.shape_cast %get3A_324 : vector<1x128xf32> to vector<1x1x128xf32>
      tpu.vector_store %arg5[%swap3A_325, %swap3A_326, %swap3A_327], %swap3A_330 {strides = array<i32>} : memref<2x2048x128xf32, #tpu.memory_space<vmem>>, vector<1x1x128xf32>,
    } else {
    }
    %get3A_290 = arith.constant 13 : index
    %get3A_291 = memref.load %arg2[%get3A_290] : memref<16xi32, #tpu.memory_space<smem>>
    %ge3A_292 = arith.cmpi sge, %get3A_291, %add3A_1 : i32
    %add3A_293 = arith.constant 2048 : i32
    %add3A_294 = arith.addi %add3A_1, %add3A_293 : i32
    %lt3A_295 = arith.cmpi slt, %get3A_291, %add3A_294 : i32
    %and3A_296 = arith.andi %ge3A_292, %lt3A_295 : i1
    %convert_element_type3A_297 = arith.extui %and3A_296 : i1 to i32
    %cond3A_298 = arith.constant 0 : i32
    %cond3A_299 = arith.cmpi ne, %convert_element_type3A_297, %cond3A_298 : i32
    scf.if %cond3A_299 {
      %get3A_320 = arith.constant 1 : index
      %get3A_321 = arith.constant 13 : index
      %get3A_322 = arith.constant 0 : index
      %get3A_323 = vector.load %arg4[%get3A_320, %get3A_321, %get3A_322] : memref<2x16x128xf32, #tpu.memory_space<vmem>>, vector<1x1x128xf32>
      %get3A_324 = vector.shape_cast %get3A_323 : vector<1x1x128xf32> to vector<1x128xf32>
      %sub3A = arith.subi %get3A_291, %add3A_1 : i32
      %swap3A_325 = arith.constant 1 : index
      %swap3A_326 = arith.index_cast %sub3A : i32 to index
      %swap3A_327 = arith.constant 0 : index
      %swap3A_328 = vector.load %arg5[%swap3A_325, %swap3A_326, %swap3A_327] : memref<2x2048x128xf32, #tpu.memory_space<vmem>>, vector<1x1x128xf32>
      %swap3A_329 = vector.shape_cast %swap3A_328 : vector<1x1x128xf32> to vector<1x128xf32>
      %swap3A_330 = vector.shape_cast %get3A_324 : vector<1x128xf32> to vector<1x1x128xf32>
      tpu.vector_store %arg5[%swap3A_325, %swap3A_326, %swap3A_327], %swap3A_330 {strides = array<i32>} : memref<2x2048x128xf32, #tpu.memory_space<vmem>>, vector<1x1x128xf32>,
    } else {
    }
    %get3A_300 = arith.constant 14 : index
    %get3A_301 = memref.load %arg2[%get3A_300] : memref<16xi32, #tpu.memory_space<smem>>
    %ge3A_302 = arith.cmpi sge, %get3A_301, %add3A_1 : i32
    %add3A_303 = arith.constant 2048 : i32
    %add3A_304 = arith.addi %add3A_1, %add3A_303 : i32
    %lt3A_305 = arith.cmpi slt, %get3A_301, %add3A_304 : i32
    %and3A_306 = arith.andi %ge3A_302, %lt3A_305 : i1
    %convert_element_type3A_307 = arith.extui %and3A_306 : i1 to i32
    %cond3A_308 = arith.constant 0 : i32
    %cond3A_309 = arith.cmpi ne, %convert_element_type3A_307, %cond3A_308 : i32
    scf.if %cond3A_309 {
      %get3A_320 = arith.constant 1 : index
      %get3A_321 = arith.constant 14 : index
      %get3A_322 = arith.constant 0 : index
      %get3A_323 = vector.load %arg4[%get3A_320, %get3A_321, %get3A_322] : memref<2x16x128xf32, #tpu.memory_space<vmem>>, vector<1x1x128xf32>
      %get3A_324 = vector.shape_cast %get3A_323 : vector<1x1x128xf32> to vector<1x128xf32>
      %sub3A = arith.subi %get3A_301, %add3A_1 : i32
      %swap3A_325 = arith.constant 1 : index
      %swap3A_326 = arith.index_cast %sub3A : i32 to index
      %swap3A_327 = arith.constant 0 : index
      %swap3A_328 = vector.load %arg5[%swap3A_325, %swap3A_326, %swap3A_327] : memref<2x2048x128xf32, #tpu.memory_space<vmem>>, vector<1x1x128xf32>
      %swap3A_329 = vector.shape_cast %swap3A_328 : vector<1x1x128xf32> to vector<1x128xf32>
      %swap3A_330 = vector.shape_cast %get3A_324 : vector<1x128xf32> to vector<1x1x128xf32>
      tpu.vector_store %arg5[%swap3A_325, %swap3A_326, %swap3A_327], %swap3A_330 {strides = array<i32>} : memref<2x2048x128xf32, #tpu.memory_space<vmem>>, vector<1x1x128xf32>,
    } else {
    }
    %get3A_310 = arith.constant 15 : index
    %get3A_311 = memref.load %arg2[%get3A_310] : memref<16xi32, #tpu.memory_space<smem>>
    %ge3A_312 = arith.cmpi sge, %get3A_311, %add3A_1 : i32
    %add3A_313 = arith.constant 2048 : i32
    %add3A_314 = arith.addi %add3A_1, %add3A_313 : i32
    %lt3A_315 = arith.cmpi slt, %get3A_311, %add3A_314 : i32
    %and3A_316 = arith.andi %ge3A_312, %lt3A_315 : i1
    %convert_element_type3A_317 = arith.extui %and3A_316 : i1 to i32
    %cond3A_318 = arith.constant 0 : i32
    %cond3A_319 = arith.cmpi ne, %convert_element_type3A_317, %cond3A_318 : i32
    scf.if %cond3A_319 {
      %get3A_320 = arith.constant 1 : index
      %get3A_321 = arith.constant 15 : index
      %get3A_322 = arith.constant 0 : index
      %get3A_323 = vector.load %arg4[%get3A_320, %get3A_321, %get3A_322] : memref<2x16x128xf32, #tpu.memory_space<vmem>>, vector<1x1x128xf32>
      %get3A_324 = vector.shape_cast %get3A_323 : vector<1x1x128xf32> to vector<1x128xf32>
      %sub3A = arith.subi %get3A_311, %add3A_1 : i32
      %swap3A_325 = arith.constant 1 : index
      %swap3A_326 = arith.index_cast %sub3A : i32 to index
      %swap3A_327 = arith.constant 0 : index
      %swap3A_328 = vector.load %arg5[%swap3A_325, %swap3A_326, %swap3A_327] : memref<2x2048x128xf32, #tpu.memory_space<vmem>>, vector<1x1x128xf32>
      %swap3A_329 = vector.shape_cast %swap3A_328 : vector<1x1x128xf32> to vector<1x128xf32>
      %swap3A_330 = vector.shape_cast %get3A_324 : vector<1x128xf32> to vector<1x1x128xf32>
      tpu.vector_store %arg5[%swap3A_325, %swap3A_326, %swap3A_327], %swap3A_330 {strides = array<i32>} : memref<2x2048x128xf32, #tpu.memory_space<vmem>>, vector<1x1x128xf32>,
    } else {
    }
    return
  }
  func.func @transform_1(%arg0: i32, %arg1: i32, %arg2: memref<16xi32, #tpu.memory_space<smem>>) -> (i32, i32, i32) {
    %c0_i32 = arith.constant 0 : i32
    %c0_i32_0 = arith.constant 0 : i32
    %c0_i32_1 = arith.constant 0 : i32
    return %arg0, %c0_i32, %c0_i32_0 : i32, i32, i32
  }
  func.func @transform_2(%arg0: i32, %arg1: i32, %arg2: memref<16xi32, #tpu.memory_space<smem>>) -> (i32, i32, i32) {
    %add3A = arith.constant 1 : i32
    %add3A_0 = arith.addi %add3A, %arg1 : i32
    %c0_i32 = arith.constant 0 : i32
    %c0_i32_1 = arith.constant 0 : i32
    return %arg0, %add3A_0, %c0_i32 : i32, i32, i32
  }
}

</mosaic_0001>

<sc_bundles>
// kernel: kernel.5.cloned.1.call-start
scs
__scs_entry_jumppad:
0x0: {  	(pc) =	sbr.rel $0x88, $3  }
0x1: {  	(tag) =	ssettag $0x0;
	lr =	simm.s32 $0x1  }
0x2: {  	[smem:$0x3F9E] =	sst lr;
	_ =	strace $0xD0000000  }
0x3: {  	_ = 	snop  }
0x4: {  	_ = 	snop  }
0x5: {  	_ = 	snop  }
0x6: {  	_ = 	snop  }
0x7: {  	_ = 	snop  }
__scs_overlays_trampoline_lowered:
0x8: {  	[smem:$0x3FAD] =	sst s0  }
0x9: {  	[smem:$0x3FAE] =	sst s1  }
0xa: {  	[smem:$0x3FAF] =	sst s2  }
0xb: {  	[smem:$0x3FB0] =	sst s3  }
0xc: {  	[smem:$0x3FB1] =	sst s4  }
0xd: {  	[smem:$0x3FB2] =	sst s5  }
0xe: {  	[smem:$0x3FB3] =	sst s6  }
0xf: {  	[smem:$0x3FB4] =	sst s7  }
0x10: {  	[smem:$0x3FB5] =	sst s8  }
0x11: {  	[smem:$0x3FB6] =	sst s9;
	s0 =	simm.s32 @!p0 $0x0  }
0x12: {  	s1 =	sld [smem:$0x3F9C];
	s0 =	simm.s32 @p0 $0x1  }
0x13: {  	[smem:$0x3FB7] =	sst s0;
	s0 =	simm.s32 @!p1 $0x0  }
0x14: {  	s2 =	sld [smem:$0x3F9B];
	s0 =	simm.s32 @p1 $0x1  }
0x15: {  	[smem:$0x3FB8] =	sst s0;
	s0 =	simm.s32 @!p2 $0x0  }
0x16: {  	s3 =	sld [smem:$0x3FDB];
	s0 =	simm.s32 @p2 $0x1  }
0x17: {  	s4 =	simm.s32 $0x1BF5;
	[smem:$0x3FBA] =	sst s0  }
0x18: {  	s0 =	sld [smem:$0x3F9D];
	_ =	swait.ge [sflag:s4], $0x0  }
0x19: {  	s7 =	sld [smem:$0x3F9E]  }
0x1a: {  	s8 =	sadd.s32 $0xFFFFE003, lr  }
0x1b: {  	s9 =	sadd.s32 $0xFFFFFEF7, lr;
	s5 =	simm.s32 $0xFFFFFFFF;
	p2 =	slt.u32 s8, $0xFFFFF086  }
0x1c: {  	p1 =	slt.u32 s9, $0xF7A;
	s5 =	simm.s32 @!p2 $0x0  }
0x1d: {  	s5 =	simm.s32 @p1 $0x1;
	p0 =	seq.s32 s7, s2  }
0x1e: {  	s7 =	smul.u32 @!p0 $0xF7A, s2;
	p2 =	seq.s32 @!p0 s5, $0x0  }
0x1f: {  	s9 =	smul.u32 $0xF7A, s1;
	s8 =	simm.s32 @!p0 $0x1BF5;
	p2 =	por !p2, p0  }
0x20: {  	[sflag:s8] =	ssyncset.s32 @!p0 $0xFFFFF086;
	s6 =	sadd.s32 @!p0 s3, s7;
	s7 =	simm.s32 @!p0 $0x108  }
0x21: {  	s3 =	sadd.s32 s3, s9;
	s6 =	sadd.s32 @!p0 $0x88, s6;
	s7 =	simm.s32 @p2 $0x1082  }
0x22: {  	[simem:s7], [sflag:s8] =	dma.local @!p0 [hbm:s6], $0xF7A  }
0x23: {  	s9 =	sor.u32 $0xD0000000, s2;
	s6 =	simm.s32 $0x108;
	_ =	swait.ge @!p0 [sflag:s8], $0x0  }
0x24: {  	s3 =	sadd.s32 $0x88, s3;
	s6 =	simm.s32 @!p1 $0x1082;
	[sflag:s4] =	ssyncset.s32 $0xFFFFF086  }
0x25: {  	[simem:s6], [sflag:s4] =	dma.local [hbm:s3], $0xF7A  }
0x26: {  	[smem:$0x3F9E] =	sst s1;
	(tag) =	ssettag s2;
	_ =	strace s9  }
0x27: {  	s1 =	sld [smem:$0x3FAE]  }
0x28: {  	s2 =	sld [smem:$0x3FAF]  }
0x29: {  	s4 =	sld [smem:$0x3FB1]  }
0x2a: {  	p0 =	seq.s32 s5, $0x0;
	s5 =	sld [smem:$0x3FB2]  }
0x2b: {  	s6 =	sld [smem:$0x3FB3]  }
0x2c: {  	s7 =	sld [smem:$0x3FB4]  }
0x2d: {  	s3 =	simm.s32 $0x108;
	s8 =	sld [smem:$0x3FB5]  }
0x2e: {  	s3 =	simm.s32 @!p0 $0x1082;
	s9 =	sld [smem:$0x3FB6]  }
0x2f: {  	lr =	sadd.s32 s0, s3;
	s0 =	sld [smem:$0x3FAD]  }
0x30: {  	s3 =	sld [smem:$0x3FB0]  }
0x31: {  	[smem:$0x3FB9] =	sst s10  }
0x32: {  	s10 =	sld [smem:$0x3FB7];
	_ =	sdelay $0x3  }
0x33: {  	p0 =	seq.s32 s10, $0x1;
	s10 =	sld [smem:$0x3FB9];
	_ =	sdelay $0x3  }
0x34: {  	[smem:$0x3FB9] =	sst s10  }
0x35: {  	s10 =	sld [smem:$0x3FB8];
	_ =	sdelay $0x3  }
0x36: {  	p1 =	seq.s32 s10, $0x1;
	s10 =	sld [smem:$0x3FB9];
	_ =	sdelay $0x3  }
0x37: {  	[smem:$0x3FB9] =	sst s10  }
0x38: {  	s10 =	sld [smem:$0x3FBA]  }
0x39: {  	_ = 	snop;
	(pc) =	sbr.ind lr, $3  }
0x3a: {  	_ = 	snop  }
0x3b: {  	_ = 	snop  }
0x3c: {  	p2 =	seq.s32 s10, $0x1;
	s10 =	sld [smem:$0x3FB9]  }
0x3d: {  	_ =	shalt  }
0x3e: {  	_ =	shalt  }
0x3f: {  	_ =	shalt  }
0x40: {  	_ =	shalt  }
0x41: {  	_ =	shalt  }
0x42: {  	_ =	shalt  }
0x43: {  	_ =	shalt  }
0x44: {  	_ =	shalt  }
0x45: {  	_ =	shalt  }
0x46: {  	_ =	shalt  }
0x47: {  	_ =	shalt  }
0x48: {  	_ =	shalt  }
0x49: {  	_ =	shalt  }
0x4a: {  	_ =	shalt  }
0x4b: {  	_ =	shalt  }
0x4c: {  	_ =	shalt  }
0x4d: {  	_ =	shalt  }
0x4e: {  	_ =	shalt  }
0x4f: {  	_ =	shalt  }
0x50: {  	_ =	shalt  }
0x51: {  	_ =	shalt  }
0x52: {  	_ =	shalt  }
0x53: {  	_ =	shalt  }
0x54: {  	_ =	shalt  }
0x55: {  	_ =	shalt  }
0x56: {  	_ =	shalt  }
0x57: {  	_ =	shalt  }
0x58: {  	_ =	shalt  }
0x59: {  	_ =	shalt  }
0x5a: {  	_ =	shalt  }
0x5b: {  	_ =	shalt  }
0x5c: {  	_ =	shalt  }
0x5d: {  	_ =	shalt  }
0x5e: {  	_ =	shalt  }
0x5f: {  	_ =	shalt  }
0x60: {  	_ =	shalt  }
0x61: {  	_ =	shalt  }
0x62: {  	_ =	shalt  }
0x63: {  	_ =	shalt  }
0x64: {  	_ =	shalt  }
0x65: {  	_ =	shalt  }
0x66: {  	_ =	shalt  }
0x67: {  	_ =	shalt  }
0x68: {  	_ =	shalt  }
0x69: {  	_ =	shalt  }
0x6a: {  	_ =	shalt  }
0x6b: {  	_ =	shalt  }
0x6c: {  	_ =	shalt  }
0x6d: {  	_ =	shalt  }
0x6e: {  	_ =	shalt  }
0x6f: {  	_ =	shalt  }
0x70: {  	_ =	shalt  }
0x71: {  	_ =	shalt  }
0x72: {  	_ =	shalt  }
0x73: {  	_ =	shalt  }
0x74: {  	_ =	shalt  }
0x75: {  	_ =	shalt  }
0x76: {  	_ =	shalt  }
0x77: {  	_ =	shalt  }
0x78: {  	_ =	shalt  }
0x79: {  	_ =	shalt  }
0x7a: {  	_ =	shalt  }
0x7b: {  	_ =	shalt  }
0x7c: {  	_ =	shalt  }
0x7d: {  	_ =	shalt  }
0x7e: {  	_ =	shalt  }
0x7f: {  	_ =	shalt  }
0x80: {  	_ =	shalt  }
0x81: {  	_ =	shalt  }
0x82: {  	_ =	shalt  }
0x83: {  	_ =	shalt  }
0x84: {  	_ =	shalt  }
0x85: {  	_ =	shalt  }
0x86: {  	_ =	shalt  }
0x87: {  	_ =	shalt  }
.Lfunc_end0:
.L_simem_size_0:
called_computation_lowered:
.L_overlay_start_0:
0x88: {  	s2 =	sld [smem:$0x3FD9]  }
0x89: {  	s3 =	sld [smem:$0x3FFE];
	_ =	sdelay $0x1  }
0x8a: {  	s1 =	srdreg.scid  }
0x8b: {  	s0 =	sand.u32 $0x1, s1  }
0x8c: {  	s15 =	sshll.u32 s0, $0xA;
	s2 =	sadd.s32 s3, s2  }
0x8d: {  	s2 =	sadd.s32 s2, s15  }
0x8e: {  	[smem:$0x3FC5] =	sst s2  }
0x8f: {  	_ = 	snop  }
0x90: {  	s2 =	sld [smem:$0x3FD0];
	_ =	sdelay $0x1  }
0x91: {  	s16 =	sld [smem:$0x3FC9]  }
0x92: {  	s5 =	simm.s32 $0xA;
	s6 =	simm.s32 $0x10;
	s4 =	sld [smem:$0x3FC7]  }
0x93: {  	[smem:s6], [sflag:s5] =	dma.local [hbm:s2], $0x1  }
0x94: {  	_ =	swait.eq [sflag:s5], $0x1  }
0x95: {  	[sflag:s5] =	ssyncset.done $0x0  }
0x96: {  	[sflag:s5] =	ssyncadd.s32 $0xFFFFFFFF  }
0x97: {  	s17 =	sld [smem:$0x11];
	(tm) =	ssettm $0x1  }
0x98: {  	s18 =	sld [smem:$0x3FFB];
	_ =	sdelay $0x3  }
0x99: {  	_ =	strace s18  }
0x9a: {  	s5 =	sld [smem:$0x3FFC];
	_ =	sdelay $0x3  }
0x9b: {  	_ =	strace s5  }
0x9c: {  	s5 =	sld [smem:$0x3FFD];
	_ =	sdelay $0x3  }
0x9d: {  	_ =	strace s5  }
0x9e: {  	_ =	strace $0x8FFFFFFF  }
0x9f: {  	s19 =	sld [smem:$0x3FDB];
	_ =	sdelay $0x1  }
0xa0: {  	s20 =	simm.s32 $_scs_section_size  }
0xa1: {  	s7 =	simm.s32 $_size__tile_overlayer_lowered;
	s8 =	simm.s32 $_tile_overlayer_lowered  }
0xa2: {  	s23 =	simm.s32 $0x1BFF;
	s22 =	sshll.u32 s8, $0x1;
	s5 =	sadd.s32 s20, s19  }
0xa3: {  	s9 =	simm.s32 $0x0;
	s21 =	sshll.u32 s7, $0x1;
	s7 =	sadd.s32 s22, s5  }
0xa4: {  	[timem:s9], [sflag:s23] =	dma.local [hbm:s7], s21  }
0xa5: {  	_ =	swait.ge [sflag:s23], s21  }
0xa6: {  	s6 =	ssub.s32 $0x0, s21;
	[sflag:s23] =	ssyncset.done $0x0  }
0xa7: {  	[sflag:s23] =	ssyncadd.s32 s6;
	_ =	sdelay $0x1  }
0xa8: {  	s24 =	simm.s32 $0x1B8B  }
0xa9: {  	_ =	swait.ge [sflag:s24], $0x1  }
0xaa: {  	[sflag:s24] =	ssyncset.done $0x0  }
0xab: {  	s25 =	simm.s32 $0x1B8E;
	[sflag:s24] =	ssyncadd.s32 $0xFFFFFFFF  }
0xac: {  	s26 =	simm.s32 $execute0_lowered;
	[smem:$0x3FD2] =	sst s25  }
0xad: {  	s6 =	sshll.u32 s26, $0x1;
	_ =	strace $0x80000046;
	[dreg:$0x1] =	wrdreg $0xFFFFFFFF  }
0xae: {  	s28 =	simm.s32 $_size_execute0_lowered;
	s5 =	sadd.s32 s5, s6;
	[dreg:$0x0] =	wrdreg $0x0  }
0xaf: {  	s6 =	sshll.u32 s28, $0x1;
	[dreg:$0x2] =	wrdreg s5  }
0xb0: {  	[dreg:$0x3] =	wrdreg s6  }
0xb1: {  	[dreg:$0x4] =	wrdreg $0xC0  }
0xb2: {  	_ =	task [dreg:s9], $0x5FFFF  }
0xb3: {  	[dreg:$0x1] =	wrdreg $0xFFFFFFFF  }
0xb4: {  	[dreg:$0x0] =	wrdreg $0x60  }
0xb5: {  	[dreg:$0x2] =	wrdreg s16  }
0xb6: {  	[dreg:$0x3] =	wrdreg s4  }
0xb7: {  	[dreg:$0x4] =	wrdreg s17  }
0xb8: {  	[dreg:$0x5] =	wrdreg $0x9  }
0xb9: {  	_ =	task.clear_ibuf [dreg:s9], $0x6FFFF;
	_ =	strace $0x90000046  }
0xba: {  	s29 =	simm.s32 $0x9;
	_ =	strace $0x80000048  }
0xbb: {  	_ =	swait.ge [sflag:s29], $0x1  }
0xbc: {  	[sflag:s29] =	ssyncadd.s32 $0xFFFFFFFF  }
0xbd: {  	_ =	strace $0x90000048  }
0xbe: {  	_ =	sfence  }
0xbf: {  	s30 =	sld [smem:$0x0];
	_ =	sdelay $0x2  }
0xc0: {  	s31 =	sshll.u32 s1, $0xD;
	s1 =	sshrl.u32 s1, $0x2  }
0xc1: {  	s3 =	sand.u32 $0x4000, s31;
	s1 =	sadd.s32 s1, s30  }
0xc2: {  	s0 =	sor.u32 s3, s0;
	s1 =	sshll.u32 s1, $0x11  }
0xc3: {  	s0 =	sor.u32 s1, s0  }
0xc4: {  	s0 =	sadd.s32 $0x8F2B, s0  }
0xc5: {  	[sflag:s0] =	ssyncadd.remote.s32 $0x1  }
0xc6: {  	_ =	sfence.sel $0xFFFF  }
0xc7: {  	[dreg:$0x0] =	wrdreg $0xFFFFFFFF;
	(pc) =	sbr.abs _section_cstart, $3  }
0xc8: {  	[dreg:$0x1] =	wrdreg $0xFFFFFFFF  }
0xc9: {  	_ =	task.clear_ibuf [dreg:s9], $0x2FFFF;
	_ =	strace $0x9FFFFFFF  }
0xca: {  	(tm) =	ssettm $0x7FFFFFFF  }
0xcb: {  	_ =	shalt  }
tec
execute0_lowered:
.L_overlay_start_1:
0x0: {  	(tag) =	ssettag $0x1  }
0x1: {  	s1 =	rddreg [dreg:$0x0]  }
0x2: {  	s0 =	rddreg [dreg:$0x1]  }
0x3: {  	s3 =	rddreg [dreg:$0x2];
	s2 =	srdreg.scid  }
0x4: {  	s5 =	stileid.u32;
	s4 =	simm.s32 $0x0;
	s23 =	simm.s32 $0x12000  }
0x5: {  	s24 =	simm.s32 $0x3;
	s28 =	simm.s32 $0x40;
	s31 =	simm.s32 $0x0  }
0x6: {  	s2 =	sand.u32 $0x1, s2;
	s5 =	sshll.u32 s5, $0x1;
	[smem:$0x7FF] =	sst s4  }
0x7: {  	s19 =	sor.u32 s2, s5;
	_ =	strace $0x80000047;
	s2 =	ssub.s32 $0x2, s2  }
0x8: {  	s5 =	sshll.u32 s19, $0x12;
	s6 =	sshrl.u32 s2, $0x1;
	s25 =	sshll.u32 s19, $0xE  }
0x9: {  	s19 =	sshll.u32 s19, $0xA;
	s5 =	sadd.s32 s3, s5;
	s2 =	ssub.s32 s2, s6  }
0xa: {  	s26 =	sor.u32 $0x1000, s25;
	s29 =	sor.u32 $0x2000, s25;
	s30 =	sor.u32 $0x3000, s25  }
0xb: {  	s19 =	sadd.s32 s0, s19;
	v0 =	vmov s25;
	s25 =	simm.s32 $0x10000;
	s6 =	sadd.s32 $0x2000, s5  }
0xc: {  	s7 =	sadd.s32 $0x4000, s5;
	s8 =	sadd.s32 $0x6000, s5;
	s9 =	sshll.u32 s26, $0x4  }
0xd: {  	s10 =	sadd.s32 $0x12000, s5;
	s11 =	sadd.s32 $0x14000, s5;
	s12 =	sadd.s32 $0x16000, s5  }
0xe: {  	s13 =	sshll.u32 s29, $0x4;
	s14 =	sadd.s32 $0x22000, s5;
	s15 =	sadd.s32 $0x24000, s5  }
0xf: {  	s16 =	sadd.s32 $0x26000, s5;
	s17 =	sshll.u32 s30, $0x4;
	s18 =	sadd.s32 $0x32000, s5  }
0x10: {  	s20 =	sadd.s32 $0x34000, s5;
	s21 =	smax.u32 s2, $0x1;
	s22 =	sadd.s32 $0x36000, s5  }
0x11: {  	v1 =	vmov s26;
	s26 =	simm.s32 $0x1;
	v2 =	vmov s29;
	v3 =	vmov s30;
	s29 =	simm.s32 $0x12080;
	s30 =	simm.s32 $0x2  }
0x12: {  	v4 =	vimm.f32 $0.0e+00;
	s9 =	sadd.s32 s3, s9;
	s13 =	sadd.s32 s3, s13;
	s17 =	sadd.s32 s3, s17  }
.LBB2_1:
0x13: {  	s0 =	simm.s32 $0x200  }
0x14: {  	[tilespmem:s0+$0xFFFFFE00] =	vst v4  }
0x15: {  	[tilespmem:s0+$0x1F0] =	vst v4  }
0x16: {  	[tilespmem:s0+$0x1E0] =	vst v4  }
0x17: {  	[tilespmem:s0+$0x1D0] =	vst v4  }
0x18: {  	[tilespmem:s0+$0x1C0] =	vst v4  }
0x19: {  	[tilespmem:s0+$0x1B0] =	vst v4  }
0x1a: {  	[tilespmem:s0+$0x1A0] =	vst v4  }
0x1b: {  	[tilespmem:s0+$0x190] =	vst v4  }
0x1c: {  	[tilespmem:s0+$0x180] =	vst v4  }
0x1d: {  	[tilespmem:s0+$0x170] =	vst v4  }
0x1e: {  	[tilespmem:s0+$0x160] =	vst v4  }
0x1f: {  	[tilespmem:s0+$0x150] =	vst v4  }
0x20: {  	[tilespmem:s0+$0x140] =	vst v4  }
0x21: {  	[tilespmem:s0+$0x130] =	vst v4  }
0x22: {  	[tilespmem:s0+$0x120] =	vst v4  }
0x23: {  	[tilespmem:s0+$0x110] =	vst v4  }
0x24: {  	[tilespmem:s0+$0x100] =	vst v4  }
0x25: {  	[tilespmem:s0+$0xF0] =	vst v4  }
0x26: {  	[tilespmem:s0+$0xE0] =	vst v4  }
0x27: {  	[tilespmem:s0+$0xD0] =	vst v4  }
0x28: {  	[tilespmem:s0+$0xC0] =	vst v4  }
0x29: {  	[tilespmem:s0+$0xB0] =	vst v4  }
0x2a: {  	[tilespmem:s0+$0xA0] =	vst v4  }
0x2b: {  	[tilespmem:s0+$0x90] =	vst v4  }
0x2c: {  	[tilespmem:s0+$0x80] =	vst v4  }
0x2d: {  	[tilespmem:s0+$0x70] =	vst v4  }
0x2e: {  	[tilespmem:s0+$0x60] =	vst v4  }
0x2f: {  	[tilespmem:s0+$0x50] =	vst v4  }
0x30: {  	[tilespmem:s0+$0x40] =	vst v4  }
0x31: {  	[tilespmem:s0+$0x30] =	vst v4  }
0x32: {  	[tilespmem:s0+$0x20] =	vst v4  }
0x33: {  	[tilespmem:s0+$0x10] =	vst v4  }
0x34: {  	[tilespmem:s0+$0x0] =	vst v4  }
0x35: {  	[tilespmem:s0+$0xFFFFFFF0] =	vst v4  }
0x36: {  	[tilespmem:s0+$0xFFFFFFE0] =	vst v4  }
0x37: {  	[tilespmem:s0+$0xFFFFFFD0] =	vst v4  }
0x38: {  	[tilespmem:s0+$0xFFFFFFC0] =	vst v4  }
0x39: {  	[tilespmem:s0+$0xFFFFFFB0] =	vst v4  }
0x3a: {  	[tilespmem:s0+$0xFFFFFFA0] =	vst v4  }
0x3b: {  	[tilespmem:s0+$0xFFFFFF90] =	vst v4  }
0x3c: {  	[tilespmem:s0+$0xFFFFFF80] =	vst v4  }
0x3d: {  	[tilespmem:s0+$0xFFFFFF70] =	vst v4  }
0x3e: {  	[tilespmem:s0+$0xFFFFFF60] =	vst v4  }
0x3f: {  	[tilespmem:s0+$0xFFFFFF50] =	vst v4  }
0x40: {  	[tilespmem:s0+$0xFFFFFF40] =	vst v4  }
0x41: {  	[tilespmem:s0+$0xFFFFFF30] =	vst v4  }
0x42: {  	[tilespmem:s0+$0xFFFFFF20] =	vst v4  }
0x43: {  	[tilespmem:s0+$0xFFFFFF10] =	vst v4  }
0x44: {  	[tilespmem:s0+$0xFFFFFF00] =	vst v4  }
0x45: {  	[tilespmem:s0+$0xFFFFFEF0] =	vst v4  }
0x46: {  	[tilespmem:s0+$0xFFFFFEE0] =	vst v4  }
0x47: {  	[tilespmem:s0+$0xFFFFFED0] =	vst v4  }
0x48: {  	[tilespmem:s0+$0xFFFFFEC0] =	vst v4  }
0x49: {  	[tilespmem:s0+$0xFFFFFEB0] =	vst v4  }
0x4a: {  	[tilespmem:s0+$0xFFFFFEA0] =	vst v4  }
0x4b: {  	[tilespmem:s0+$0xFFFFFE90] =	vst v4  }
0x4c: {  	[tilespmem:s0+$0xFFFFFE80] =	vst v4  }
0x4d: {  	[tilespmem:s0+$0xFFFFFE70] =	vst v4  }
0x4e: {  	[tilespmem:s0+$0xFFFFFE60] =	vst v4  }
0x4f: {  	[tilespmem:s0+$0xFFFFFE50] =	vst v4  }
0x50: {  	[tilespmem:s0+$0xFFFFFE40] =	vst v4  }
0x51: {  	[tilespmem:s0+$0xFFFFFE30] =	vst v4  }
0x52: {  	s2 =	simm.s32 $0x0;
	[tilespmem:s0+$0xFFFFFE20] =	vst v4  }
.LBB2_2:
0x53: {  	s2 =	sadd.s32 $0x8, s2;
	[tilespmem:s0+$0xFFFFFE10] =	vst v4;
	s0 =	sadd.s32 $0x400, s0  }
0x54: {  	[tilespmem:s0+$0xFFFFFE00] =	vst v4;
	p0 =	slt.u32 s2, $0x1F8  }
0x55: {  	[tilespmem:s0+$0x1F0] =	vst v4  }
0x56: {  	[tilespmem:s0+$0x1E0] =	vst v4  }
0x57: {  	[tilespmem:s0+$0x1D0] =	vst v4  }
0x58: {  	[tilespmem:s0+$0x1C0] =	vst v4  }
0x59: {  	[tilespmem:s0+$0x1B0] =	vst v4  }
0x5a: {  	[tilespmem:s0+$0x1A0] =	vst v4  }
0x5b: {  	[tilespmem:s0+$0x190] =	vst v4  }
0x5c: {  	[tilespmem:s0+$0x180] =	vst v4  }
0x5d: {  	[tilespmem:s0+$0x170] =	vst v4  }
0x5e: {  	[tilespmem:s0+$0x160] =	vst v4  }
0x5f: {  	[tilespmem:s0+$0x150] =	vst v4  }
0x60: {  	[tilespmem:s0+$0x140] =	vst v4  }
0x61: {  	[tilespmem:s0+$0x130] =	vst v4  }
0x62: {  	[tilespmem:s0+$0x120] =	vst v4  }
0x63: {  	[tilespmem:s0+$0x110] =	vst v4  }
0x64: {  	[tilespmem:s0+$0x100] =	vst v4  }
0x65: {  	[tilespmem:s0+$0xF0] =	vst v4  }
0x66: {  	[tilespmem:s0+$0xE0] =	vst v4  }
0x67: {  	[tilespmem:s0+$0xD0] =	vst v4  }
0x68: {  	[tilespmem:s0+$0xC0] =	vst v4  }
0x69: {  	[tilespmem:s0+$0xB0] =	vst v4  }
0x6a: {  	[tilespmem:s0+$0xA0] =	vst v4  }
0x6b: {  	[tilespmem:s0+$0x90] =	vst v4  }
0x6c: {  	[tilespmem:s0+$0x80] =	vst v4  }
0x6d: {  	[tilespmem:s0+$0x70] =	vst v4  }
0x6e: {  	[tilespmem:s0+$0x60] =	vst v4  }
0x6f: {  	[tilespmem:s0+$0x50] =	vst v4  }
0x70: {  	[tilespmem:s0+$0x40] =	vst v4  }
0x71: {  	[tilespmem:s0+$0x30] =	vst v4  }
0x72: {  	[tilespmem:s0+$0x20] =	vst v4  }
0x73: {  	[tilespmem:s0+$0x10] =	vst v4  }
0x74: {  	[tilespmem:s0+$0x0] =	vst v4  }
0x75: {  	[tilespmem:s0+$0xFFFFFFF0] =	vst v4  }
0x76: {  	[tilespmem:s0+$0xFFFFFFE0] =	vst v4  }
0x77: {  	[tilespmem:s0+$0xFFFFFFD0] =	vst v4  }
0x78: {  	[tilespmem:s0+$0xFFFFFFC0] =	vst v4  }
0x79: {  	[tilespmem:s0+$0xFFFFFFB0] =	vst v4  }
0x7a: {  	[tilespmem:s0+$0xFFFFFFA0] =	vst v4  }
0x7b: {  	[tilespmem:s0+$0xFFFFFF90] =	vst v4  }
0x7c: {  	[tilespmem:s0+$0xFFFFFF80] =	vst v4  }
0x7d: {  	[tilespmem:s0+$0xFFFFFF70] =	vst v4  }
0x7e: {  	[tilespmem:s0+$0xFFFFFF60] =	vst v4  }
0x7f: {  	[tilespmem:s0+$0xFFFFFF50] =	vst v4  }
0x80: {  	[tilespmem:s0+$0xFFFFFF40] =	vst v4  }
0x81: {  	[tilespmem:s0+$0xFFFFFF30] =	vst v4  }
0x82: {  	[tilespmem:s0+$0xFFFFFF20] =	vst v4  }
0x83: {  	[tilespmem:s0+$0xFFFFFF10] =	vst v4  }
0x84: {  	[tilespmem:s0+$0xFFFFFF00] =	vst v4  }
0x85: {  	[tilespmem:s0+$0xFFFFFEF0] =	vst v4  }
0x86: {  	[tilespmem:s0+$0xFFFFFEE0] =	vst v4  }
0x87: {  	[tilespmem:s0+$0xFFFFFED0] =	vst v4  }
0x88: {  	[tilespmem:s0+$0xFFFFFEC0] =	vst v4  }
0x89: {  	[tilespmem:s0+$0xFFFFFEB0] =	vst v4  }
0x8a: {  	[tilespmem:s0+$0xFFFFFEA0] =	vst v4  }
0x8b: {  	[tilespmem:s0+$0xFFFFFE90] =	vst v4  }
0x8c: {  	[tilespmem:s0+$0xFFFFFE80] =	vst v4  }
0x8d: {  	[tilespmem:s0+$0xFFFFFE70] =	vst v4  }
.Ltmp0:
0x8e: {  	[tilespmem:s0+$0xFFFFFE60] =	vst v4;
	(pc) =	sbr.rel @p0 .LBB2_2-.Ltmp0, $4  }
0x8f: {  	[tilespmem:s0+$0xFFFFFE50] =	vst v4  }
0x90: {  	[tilespmem:s0+$0xFFFFFE40] =	vst v4  }
0x91: {  	[tilespmem:s0+$0xFFFFFE30] =	vst v4  }
0x92: {  	[tilespmem:s0+$0xFFFFFE20] =	vst v4  }
0x93: {  	[tilespmem:s0+$0xFFFFFE10] =	vst v4  }
0x94: {  	[hbm4b:s5+s4] =	stream.linear.scatter [tilespmem:s4], [sflag:$0x1], $0x10000, $0x38;
	[tilespmem:$0x12100] =	vst v63  }
0x95: {  	_ = 	snop  }
0x96: {  	[hbm4b:s6+s4] =	stream.linear.scatter [tilespmem:s4], [sflag:$0x1], $0x10000, $0x38;
	[tilespmem:$0x12100] =	vst v63  }
0x97: {  	_ = 	snop  }
0x98: {  	[hbm4b:s7+s4] =	stream.linear.scatter [tilespmem:s4], [sflag:$0x1], $0x10000, $0x38;
	[tilespmem:$0x12100] =	vst v63  }
0x99: {  	_ = 	snop  }
0x9a: {  	[hbm4b:s8+s4] =	stream.linear.scatter [tilespmem:s4], [sflag:$0x1], $0x10000, $0x38;
	[tilespmem:$0x12100] =	vst v63  }
0x9b: {  	_ = 	snop  }
0x9c: {  	[hbm4b:s9+s4] =	stream.linear.scatter [tilespmem:s4], [sflag:$0x1], $0x10000, $0x38;
	[tilespmem:$0x12100] =	vst v63  }
0x9d: {  	_ = 	snop  }
0x9e: {  	[hbm4b:s10+s4] =	stream.linear.scatter [tilespmem:s4], [sflag:$0x1], $0x10000, $0x38;
	[tilespmem:$0x12100] =	vst v63  }
0x9f: {  	_ = 	snop  }
0xa0: {  	[hbm4b:s11+s4] =	stream.linear.scatter [tilespmem:s4], [sflag:$0x1], $0x10000, $0x38;
	[tilespmem:$0x12100] =	vst v63  }
0xa1: {  	_ = 	snop  }
0xa2: {  	[hbm4b:s12+s4] =	stream.linear.scatter [tilespmem:s4], [sflag:$0x1], $0x10000, $0x38;
	[tilespmem:$0x12100] =	vst v63  }
0xa3: {  	_ = 	snop  }
0xa4: {  	[hbm4b:s13+s4] =	stream.linear.scatter [tilespmem:s4], [sflag:$0x1], $0x10000, $0x38;
	[tilespmem:$0x12100] =	vst v63  }
0xa5: {  	_ = 	snop  }
0xa6: {  	[hbm4b:s14+s4] =	stream.linear.scatter [tilespmem:s4], [sflag:$0x1], $0x10000, $0x38;
	[tilespmem:$0x12100] =	vst v63  }
0xa7: {  	_ = 	snop  }
0xa8: {  	[hbm4b:s15+s4] =	stream.linear.scatter [tilespmem:s4], [sflag:$0x1], $0x10000, $0x38;
	[tilespmem:$0x12100] =	vst v63  }
0xa9: {  	_ = 	snop  }
0xaa: {  	[hbm4b:s16+s4] =	stream.linear.scatter [tilespmem:s4], [sflag:$0x1], $0x10000, $0x38;
	[tilespmem:$0x12100] =	vst v63  }
0xab: {  	_ = 	snop  }
0xac: {  	[hbm4b:s17+s4] =	stream.linear.scatter [tilespmem:s4], [sflag:$0x1], $0x10000, $0x38;
	[tilespmem:$0x12100] =	vst v63  }
0xad: {  	_ = 	snop  }
0xae: {  	[hbm4b:s18+s4] =	stream.linear.scatter [tilespmem:s4], [sflag:$0x1], $0x10000, $0x38;
	[tilespmem:$0x12100] =	vst v63  }
0xaf: {  	_ = 	snop  }
0xb0: {  	[hbm4b:s20+s4] =	stream.linear.scatter [tilespmem:s4], [sflag:$0x1], $0x10000, $0x38;
	[tilespmem:$0x12100] =	vst v63  }
0xb1: {  	_ = 	snop  }
0xb2: {  	[hbm4b:s22+s4] =	stream.linear.scatter [tilespmem:s4], [sflag:$0x1], $0x10000, $0x38;
	[tilespmem:$0x12100] =	vst v63  }
0xb3: {  	_ = 	snop  }
0xb4: {  	[tilespmem:s23], [sflag:$0x3] =	stream.linear.gather [hbm4b:s1+s4], $0x80, $0x38;
	[tilespmem:$0x12100] =	vst v63  }
0xb5: {  	_ =	swait.ge [sflag:s24], $0x80  }
0xb6: {  	[sflag:s24] =	ssyncset.done $0x0  }
0xb7: {  	[sflag:s24] =	ssyncadd.s32 $0xFFFFFF80  }
0xb8: {  	[tilespmem:s25], [sflag:$0x3] =	stream.linear.gather [hbm4b:s19+s4], $0x2000, $0x38;
	[tilespmem:$0x12100] =	vst v63  }
0xb9: {  	_ =	swait.ge [sflag:s24], $0x2000  }
0xba: {  	[sflag:s24] =	ssyncset.done $0x0  }
0xbb: {  	[sflag:s24] =	ssyncadd.s32 $0xFFFFE000  }
0xbc: {  	v5 =	vld [tilespmem:$0x12000];
	_ =	sdelay $0x4  }
0xbd: {  	vm0 =	vlt.s32 v5, $0x800  }
0xbe: {  	v5 =	vnsel vm0, $0x800, v5  }
0xbf: {  	v6 =	vadd.s32 v0, v5  }
0xc0: {  	[tilespmem:$0x12080] =	vst v6;
	v6 =	vadd.s32 v1, v5  }
0xc1: {  	[tilespmem:$0x12090] =	vst v6;
	v6 =	vadd.s32 v2, v5  }
0xc2: {  	v5 =	vadd.s32 v3, v5;
	[tilespmem:$0x120A0] =	vst v6  }
0xc3: {  	[tilespmem:$0x120B0] =	vst v5  }
0xc4: {  	_ =	swait.ge [sflag:s26], $0x10000  }
0xc5: {  	[sflag:s26] =	ssyncset.done $0x0  }
0xc6: {  	[sflag:s26] =	ssyncadd.s32 $0xFFFF0000  }
0xc7: {  	_ =	swait.ge [sflag:s26], $0x10000  }
0xc8: {  	[sflag:s26] =	ssyncset.done $0x0  }
0xc9: {  	[sflag:s26] =	ssyncadd.s32 $0xFFFF0000  }
0xca: {  	_ =	swait.ge [sflag:s26], $0x10000  }
0xcb: {  	[sflag:s26] =	ssyncset.done $0x0  }
0xcc: {  	[sflag:s26] =	ssyncadd.s32 $0xFFFF0000  }
0xcd: {  	_ =	swait.ge [sflag:s26], $0x10000  }
0xce: {  	[sflag:s26] =	ssyncset.done $0x0  }
0xcf: {  	[sflag:s26] =	ssyncadd.s32 $0xFFFF0000  }
0xd0: {  	_ =	swait.ge [sflag:s26], $0x10000  }
0xd1: {  	[sflag:s26] =	ssyncset.done $0x0  }
0xd2: {  	[sflag:s26] =	ssyncadd.s32 $0xFFFF0000  }
0xd3: {  	_ =	swait.ge [sflag:s26], $0x10000  }
0xd4: {  	[sflag:s26] =	ssyncset.done $0x0  }
0xd5: {  	[sflag:s26] =	ssyncadd.s32 $0xFFFF0000  }
0xd6: {  	_ =	swait.ge [sflag:s26], $0x10000  }
0xd7: {  	[sflag:s26] =	ssyncset.done $0x0  }
0xd8: {  	[sflag:s26] =	ssyncadd.s32 $0xFFFF0000  }
0xd9: {  	_ =	swait.ge [sflag:s26], $0x10000  }
0xda: {  	[sflag:s26] =	ssyncset.done $0x0  }
0xdb: {  	[sflag:s26] =	ssyncadd.s32 $0xFFFF0000  }
0xdc: {  	_ =	swait.ge [sflag:s26], $0x10000  }
0xdd: {  	[sflag:s26] =	ssyncset.done $0x0  }
0xde: {  	[sflag:s26] =	ssyncadd.s32 $0xFFFF0000  }
0xdf: {  	_ =	swait.ge [sflag:s26], $0x10000  }
0xe0: {  	[sflag:s26] =	ssyncset.done $0x0  }
0xe1: {  	[sflag:s26] =	ssyncadd.s32 $0xFFFF0000  }
0xe2: {  	_ =	swait.ge [sflag:s26], $0x10000  }
0xe3: {  	[sflag:s26] =	ssyncset.done $0x0  }
0xe4: {  	[sflag:s26] =	ssyncadd.s32 $0xFFFF0000  }
0xe5: {  	_ =	swait.ge [sflag:s26], $0x10000  }
0xe6: {  	[sflag:s26] =	ssyncset.done $0x0  }
0xe7: {  	[sflag:s26] =	ssyncadd.s32 $0xFFFF0000  }
0xe8: {  	_ =	swait.ge [sflag:s26], $0x10000  }
0xe9: {  	[sflag:s26] =	ssyncset.done $0x0  }
0xea: {  	[sflag:s26] =	ssyncadd.s32 $0xFFFF0000  }
0xeb: {  	_ =	swait.ge [sflag:s26], $0x10000  }
0xec: {  	[sflag:s26] =	ssyncset.done $0x0  }
0xed: {  	[sflag:s26] =	ssyncadd.s32 $0xFFFF0000  }
0xee: {  	_ =	swait.ge [sflag:s26], $0x10000  }
0xef: {  	[sflag:s26] =	ssyncset.done $0x0  }
0xf0: {  	[sflag:s26] =	ssyncadd.s32 $0xFFFF0000  }
0xf1: {  	s31 =	sadd.s32 $0x1, s31;
	_ =	swait.ge [sflag:s26], $0x10000  }
0xf2: {  	p0 =	sne.s32 s31, s21;
	[sflag:s26] =	ssyncset.done $0x0  }
.Ltmp1:
0xf3: {  	[sflag:s26] =	ssyncadd.s32 $0xFFFF0000;
	(pc) =	sbr.rel @p0 .LBB2_1-.Ltmp1, $4  }
0xf4: {  	[hbm4b:s3+s28] =	stream.indirect.scatter [tilespmem:s25], [sflag:$0x2], $0x80, s29, s28, $0xb8;
	[tilespmem:$0x12100] =	vst v63  }
0xf5: {  	_ =	swait.ge [sflag:s30], $0x2000  }
0xf6: {  	[sflag:s30] =	ssyncset.done $0x0  }
0xf7: {  	[sflag:s30] =	ssyncadd.s32 $0xFFFFE000  }
0xf8: {  	_ =	sfence.sel $0x180000  }
0xf9: {  	[bflag:$0x0] =	sbarrier.arrive $0xFFFF  }
0xfa: {  	_ =	strace $0x90000047  }
0xfb: {  	s0 =	stileid.u32;
	[bflag:$0x2] =	sbarrier.arrive $0xFFFF  }
0xfc: {  	p0 =	sne.s32 s0, $0x0;
	s0 =	rddreg [dreg:$0x3]  }
0xfd: {  	s0 =	sadd.s32 @!p0 $0x100000, s0  }
0xfe: {  	[sflag:s0] =	ssyncadd.tile.s32 @!p0 $0x1;
	_ =	shalt  }
.Lfunc_end2:
_tile_overlayer_lowered:
.L_overlay_start_2:
0xff: {  	(tag) =	ssettag $0x2  }
0x100: {  	s0 =	rddreg [dreg:$0x0];
	s2 =	stileid.u32  }
0x101: {  	s1 =	rddreg [dreg:$0x1];
	p0 =	sne.s32 s2, $0x0  }
0x102: {  	s3 =	rddreg [dreg:$0x2];
	[bflag:$0x3] =	sbarrier.arrive $0xFFFF;
	s2 =	simm.s32 @!p0 $0x1C03  }
0x103: {  	[timem:s3], [sflag:s2] =	dma.local @!p0 [hbm:s0], s1  }
0x104: {  	s0 =	simm.s32 @!p0 $0x3  }
0x105: {  	_ =	swait.ge @!p0 [sflag:s0], s1  }
0x106: {  	s1 =	ssub.s32 @!p0 $0x0, s1;
	[sflag:s0] =	ssyncset.done @!p0 $0x0  }
0x107: {  	[sflag:s0] =	ssyncadd.s32 @!p0 s1  }
0x108: {  	[bflag:$0x3] =	sbarrier.arrive $0xFFFF  }
0x109: {  	_ =	shalt  }

</sc_bundles>
